<compile_context>
chip_gen: v7x
topology: tpu7x:2x2x1
jax: 0.10.2.dev20260603
libtpu: 0.0.44.dev20260713+nightly
codegen_flags: <defaults>
</compile_context>

<pallas_src>
import functools

import jax
import jax.numpy as jnp
from jax import lax
from jax.experimental import pallas as pl
from jax.experimental.pallas import tpu as pltpu
from jax.experimental.pallas import tpu_sc as plsc

B = 1024
NNEG = 2048
D = 768
M = 48
K = 256
DSUB = D // M
N_IVF = 10000
NROWS = B + B + NNEG
NQ = B + NNEG


_NC, _NS = 2, 16
_NW = _NC * _NS
_BPW = NQ // _NW


def _sc_gather(table, ids):
    mesh = plsc.VectorSubcoreMesh(core_axis_name="c", subcore_axis_name="s")

    @functools.partial(
        pl.kernel,
        out_type=jax.ShapeDtypeStruct((NQ, D), jnp.float32),
        mesh=mesh,
        scratch_types=[
            pltpu.VMEM((_BPW,), jnp.int32),
            pltpu.VMEM((_BPW, D), jnp.float32),
            pltpu.SemaphoreType.DMA,
        ],
    )
    def gather_kernel(table_hbm, idx_hbm, out_hbm, idx_v, rows_v, sem):
        wid = lax.axis_index("s") * _NC + lax.axis_index("c")
        base = wid * _BPW
        pltpu.sync_copy(idx_hbm.at[pl.ds(base, _BPW)], idx_v)
        pltpu.async_copy(table_hbm.at[idx_v], rows_v, sem).wait()
        pltpu.sync_copy(rows_v, out_hbm.at[pl.ds(base, _BPW)])

    return gather_kernel(table, ids)



_RBLK = 512
_QB = B // _RBLK
_DB = B // _RBLK
_NB = NNEG // _RBLK


def _rotate3_body(q_ref, d_ref, n_ref, r_ref, out_ref):
    i = pl.program_id(0)
    r16 = r_ref[...].astype(jnp.bfloat16)

    def rot(src_ref):
        return lax.dot_general(src_ref[...].astype(jnp.bfloat16), r16,
                               (((1,), (1,)), ((), ())),
                               preferred_element_type=jnp.float32)

    @pl.when(i < _QB)
    def _():
        out_ref[...] = rot(q_ref)

    @pl.when(jnp.logical_and(i >= _QB, i < _QB + _DB))
    def _():
        out_ref[...] = rot(d_ref)

    @pl.when(i >= _QB + _DB)
    def _():
        out_ref[...] = rot(n_ref)


def _rotate3(q, d, n, rotation):
    nblk = NROWS // _RBLK
    return pl.pallas_call(
        _rotate3_body,
        grid=(nblk,),
        in_specs=[
            pl.BlockSpec((_RBLK, D), lambda i: (jnp.minimum(i, _QB - 1), 0)),
            pl.BlockSpec((_RBLK, D),
                         lambda i: (jnp.clip(i - _QB, 0, _DB - 1), 0)),
            pl.BlockSpec((_RBLK, D),
                         lambda i: (jnp.clip(i - _QB - _DB, 0, _NB - 1), 0)),
            pl.BlockSpec((D, D), lambda i: (0, 0)),
        ],
        out_specs=pl.BlockSpec((_RBLK, D), lambda i: (i, 0)),
        out_shape=jax.ShapeDtypeStruct((NROWS, D), jnp.float32),
    )(q, d, n, rotation)



_QBLK = 512
_GSUB = 8
_NG = M // _GSUB
_GD = _GSUB * DSUB
_GK = _GSUB * K


def _pq_body(rot_ref, cbd_ref, out_ref, cn_ref):
    i = pl.program_id(1)
    cbd = cbd_ref[0]
    cbd16 = cbd.astype(jnp.bfloat16)

    @pl.when(i == 0)
    def _():
        cn_ref[0:1, :] = jnp.sum(cbd * cbd, axis=0, keepdims=True)

    rows = rot_ref[...]
    sm = lax.dot_general(rows.astype(jnp.bfloat16), cbd16,
                         (((1,), (0,)), ((), ())),
                         preferred_element_type=jnp.float32)
    dist = cn_ref[0:1, :] - 2.0 * sm
    ohs = []
    for mi in range(_GSUB):
        dsub = dist[:, mi * K:(mi + 1) * K]
        mn = jnp.min(dsub, axis=1, keepdims=True)
        ohs.append((dsub == mn).astype(jnp.bfloat16))
    oh = jnp.concatenate(ohs, axis=1)
    out_ref[...] = lax.dot_general(oh, cbd16, (((1,), (1,)), ((), ())),
                                   preferred_element_type=jnp.float32)


def _pq(rot, cbd):
    qoff = B // _QBLK
    return pl.pallas_call(
        _pq_body,
        grid=(_NG, NQ // _QBLK),
        in_specs=[
            pl.BlockSpec((_QBLK, _GD), lambda g, i: (i + qoff, g)),
            pl.BlockSpec((1, _GD, _GK), lambda g, i: (g, 0, 0)),
        ],
        out_specs=pl.BlockSpec((_QBLK, _GD), lambda g, i: (i, g)),
        out_shape=jax.ShapeDtypeStruct((NQ, D), jnp.float32),
        scratch_shapes=[pltpu.VMEM((8, _GK), jnp.float32)],
    )(rot, cbd)



_SRB = 512


def _loss_accum(r, s, invt, out_ref):
    s = s * invt
    rowmax = jnp.max(s, axis=1, keepdims=True)
    lse = jnp.log(jnp.sum(jnp.exp(s - rowmax), axis=1, keepdims=True)) + rowmax
    s1 = s[:, :B]
    eye = (lax.broadcasted_iota(jnp.int32, (_SRB, B), 1)
           == lax.broadcasted_iota(jnp.int32, (_SRB, B), 0) + r * _SRB)
    diag = jnp.sum(jnp.where(eye, s1, 0.0), axis=1, keepdims=True)
    partial = -jnp.sum(diag - lse) / B

    @pl.when(r == 0)
    def _():
        out_ref[...] = jnp.full((1, 1, 128), partial, dtype=jnp.float32)

    @pl.when(r > 0)
    def _():
        out_ref[...] = out_ref[...] + partial


def _mm16(a, b):
    return lax.dot_general(a, b.astype(jnp.bfloat16), (((1,), (1,)), ((), ())),
                           preferred_element_type=jnp.float32)


def _losses_body(q_ref, rot_ref, d_ref, n_ref, g_ref, p_ref, invt_ref,
                 out_ref):
    sid = pl.program_id(0)
    r = pl.program_id(1)
    invt = invt_ref[0, 0]

    @pl.when(sid == 0)
    def _():
        a = q_ref[...].astype(jnp.bfloat16)
        s = jnp.concatenate([_mm16(a, d_ref[...]), _mm16(a, n_ref[...])],
                            axis=1)
        _loss_accum(r, s, invt, out_ref)

    @pl.when(sid == 1)
    def _():
        a = rot_ref[...].astype(jnp.bfloat16)
        _loss_accum(r, _mm16(a, g_ref[...]), invt, out_ref)

    @pl.when(sid == 2)
    def _():
        a = rot_ref[...].astype(jnp.bfloat16)
        _loss_accum(r, _mm16(a, p_ref[...]), invt, out_ref)


def _losses(q, rot, d, n, gathered, quant, invt):
    out = pl.pallas_call(
        _losses_body,
        grid=(3, B // _SRB),
        in_specs=[
            pl.BlockSpec((_SRB, D),
                         lambda s, r: (jnp.where(s == 0, r, 1), 0)),
            pl.BlockSpec((_SRB, D),
                         lambda s, r: (jnp.where(s == 0, 0, r), 0)),
            pl.BlockSpec((B, D), lambda s, r: (0, 0)),
            pl.BlockSpec((NNEG, D), lambda s, r: (0, 0)),
            pl.BlockSpec((NQ, D), lambda s, r: (0, 0)),
            pl.BlockSpec((NQ, D), lambda s, r: (0, 0)),
            pl.BlockSpec(memory_space=pltpu.SMEM),
        ],
        out_specs=pl.BlockSpec((1, 1, 128), lambda s, r: (s, 0, 0)),
        out_shape=jax.ShapeDtypeStruct((3, 1, 128), jnp.float32),
    )(q, rot, d, n, gathered, quant, invt)
    return out[:, 0, 0]



def kernel(origin_q_emb, origin_d_emb, origin_n_emb, rotation, codebook,
           ivf_centers, doc_ids, neg_ids, temperature):
    ids = jnp.concatenate([doc_ids.astype(jnp.int32),
                           neg_ids.astype(jnp.int32)])
    gathered = _sc_gather(ivf_centers, ids)
    rot = _rotate3(origin_q_emb, origin_d_emb, origin_n_emb, rotation)
    cb_r = codebook.reshape(_NG, _GSUB, K, DSUB)
    eye = jnp.eye(_GSUB, dtype=codebook.dtype)
    cbd = jnp.einsum('gmkd,mn->gmdnk', cb_r, eye).reshape(_NG, _GD, _GK)
    quant = _pq(rot, cbd)
    invt = jnp.full((1, 1), 1.0, jnp.float32) / jnp.float32(temperature)
    return _losses(origin_q_emb, rot, origin_d_emb, origin_n_emb,
                   gathered, quant, invt)

# --- scband reference (transcript-rebuilt; emitter-appended) ---
"""Pipeline reference for scband-learnable-vq-16226386444829 (READ-ONLY COPY).

The authoritative reference and input builder live on the scoring server;
editing this copy changes nothing except your own understanding.
"""

import jax, jax.numpy as jnp
import numpy as np

B = 1024
NNEG = 2048
D = 768
M = 48
K = 256
DSUB = D // M
N_IVF = 10000


def setup_inputs(seed: int = 0) -> dict:
    key = jax.random.key(seed)
    ks = jax.random.split(key, 8)
    origin_q_emb = jax.random.normal(ks[0], (B, D), dtype=jnp.float32)
    origin_d_emb = jax.random.normal(ks[1], (B, D), dtype=jnp.float32)
    origin_n_emb = jax.random.normal(ks[2], (NNEG, D), dtype=jnp.float32)
    rotation = jax.random.normal(ks[3], (D, D), dtype=jnp.float32) / np.sqrt(D)
    codebook = jax.random.normal(ks[4], (M, K, DSUB), dtype=jnp.float32)
    ivf_centers = jax.random.normal(ks[5], (N_IVF, D), dtype=jnp.float32)
    doc_ids = jax.random.randint(ks[6], (B,), 0, N_IVF, dtype=jnp.int32).astype(jnp.int64)
    neg_ids = jax.random.randint(ks[7], (NNEG,), 0, N_IVF, dtype=jnp.int32).astype(jnp.int64)
    return {
        "origin_q_emb": origin_q_emb,
        "origin_d_emb": origin_d_emb,
        "origin_n_emb": origin_n_emb,
        "rotation": rotation,
        "codebook": codebook,
        "ivf_centers": ivf_centers,
        "doc_ids": doc_ids,
        "neg_ids": neg_ids,
        "temperature": 1,
    }


def _rotate_vec(v, rotation):
    return v @ rotation.T


def _pq_quantize(v, rotation, codebook):
    # rotate then product-quantize with straight-through estimator (LibVQ style)
    r = _rotate_vec(v, rotation)
    b = r.shape[0]
    sub = r.reshape(b, M, DSUB)
    # squared distances to codewords: (b, M, K)
    d = (jnp.sum(sub ** 2, axis=-1)[:, :, None]
         - 2.0 * jnp.einsum('bmd,mkd->bmk', sub, codebook)
         + jnp.sum(codebook ** 2, axis=-1)[None, :, :])
    soft = jax.nn.softmax(-d, axis=-1)
    idx = jnp.argmin(d, axis=-1)
    hard = jax.nn.one_hot(idx, K, dtype=soft.dtype)
    assign = hard + soft - jax.lax.stop_gradient(soft)
    q = jnp.einsum('bmk,mkd->bmd', assign, codebook)
    return q.reshape(b, D)


def _compute_score(q, d, n, temperature):
    score = jnp.matmul(q, d.T)
    n_score = jnp.matmul(q, n.T)
    return jnp.concatenate([score, n_score], axis=-1) / temperature


def _contras_loss(score):
    labels = jnp.arange(score.shape[0])
    logp = jax.nn.log_softmax(score, axis=-1)
    return -jnp.mean(jnp.take_along_axis(logp, labels[:, None], axis=1))


def reference(origin_q_emb, origin_d_emb, origin_n_emb, rotation, codebook,
              ivf_centers, doc_ids, neg_ids, temperature):
    # fix_emb='query doc', loss_method='contras'
    query_vecs = origin_q_emb
    rotate_query_vecs = _rotate_vec(query_vecs, rotation)
    doc_vecs, neg_vecs = origin_d_emb, origin_n_emb
    dc_emb = jnp.take(ivf_centers, doc_ids, axis=0)
    nc_emb = jnp.take(ivf_centers, neg_ids, axis=0)
    quantized_doc = _pq_quantize(doc_vecs, rotation, codebook)
    quantized_neg = _pq_quantize(neg_vecs, rotation, codebook)
    t = jnp.float32(temperature)
    dense_score = _compute_score(query_vecs, doc_vecs, neg_vecs, t)
    ivf_score = _compute_score(rotate_query_vecs, dc_emb, nc_emb, t)
    pq_score = _compute_score(rotate_query_vecs, quantized_doc, quantized_neg, t)
    dense_loss = _contras_loss(dense_score)
    ivf_loss = _contras_loss(ivf_score)
    pq_loss = _contras_loss(pq_score)
    return jnp.stack([dense_loss, ivf_loss, pq_loss])

if __name__ == "__main__":
    import jax
    _d = setup_inputs()
    print(jax.jit(kernel)(*tuple(_d.values())))

</pallas_src>

<mosaic_0001>
#map = affine_map<(d0, d1) -> (0, 0)>
#map1 = affine_map<(d0, d1) -> (0)>
module attributes {stable_mosaic.version = 14 : i64} {
  func.func @gather_kernel(%arg0: i32, %arg1: i32, %arg2: memref<10000x768xf32, #tpu.memory_space<hbm>>, %arg3: memref<3072xi32, #tpu.memory_space<hbm>>, %arg4: memref<3072x768xf32, #tpu.memory_space<hbm>>, %arg5: memref<96xi32, #tpu.memory_space<vmem>>, %arg6: memref<96x768xf32, #tpu.memory_space<vmem>>, %arg7: memref<!tpu.dma_semaphore, #tpu.memory_space<semaphore_mem>>) attributes {dimension_semantics = [#tpu.dimension_semantics<core_parallel>, #tpu.dimension_semantics<subcore_parallel>], iteration_bounds = array<i64: 2, 16>, scalar_prefetch = 0 : i64, scratch_operands = 3 : i64, tpu.core_type = #tpu.core_type<sc_vector_subcore>, window_params = [{transform_indices = #map}, {transform_indices = #map1}, {transform_indices = #map}]} {
    %mul3A = arith.constant 2 : i32
    %mul3A_0 = arith.muli %arg1, %mul3A : i32
    %add3A = arith.addi %mul3A_0, %arg0 : i32
    %mul3A_1 = arith.constant 96 : i32
    %mul3A_2 = arith.muli %add3A, %mul3A_1 : i32
    "tpu.region"() ({
      %run_scoped3A = tpu.sem_alloc : memref<!tpu.dma_semaphore, #tpu.memory_space<semaphore_mem>>
      %dma_start3A_7 = tpu.memref_slice %arg3[%mul3A_2] : memref<3072xi32, #tpu.memory_space<hbm>> -> memref<96xi32, #tpu.memory_space<hbm>>
      %dma_start3A_8 = tpu.memref_slice %arg3[%mul3A_2] : memref<3072xi32, #tpu.memory_space<hbm>> -> memref<96xi32, #tpu.memory_space<hbm>>
      tpu.enqueue_dma source(%dma_start3A_8 : memref<96xi32, #tpu.memory_space<hbm>>) target(%arg5 : memref<96xi32, #tpu.memory_space<vmem>>) target_semaphore(%run_scoped3A : memref<!tpu.dma_semaphore, #tpu.memory_space<semaphore_mem>>)
      %dma_wait3A_9 = tpu.memref_slice %arg3[%mul3A_2] : memref<3072xi32, #tpu.memory_space<hbm>> -> memref<96xi32, #tpu.memory_space<hbm>>
      %dma_wait3A_10 = tpu.memref_slice %arg3[%mul3A_2] : memref<3072xi32, #tpu.memory_space<hbm>> -> memref<96xi32, #tpu.memory_space<hbm>>
      tpu.wait_dma2 semaphore(%run_scoped3A : memref<!tpu.dma_semaphore, #tpu.memory_space<semaphore_mem>>) src(%dma_wait3A_10 : memref<96xi32, #tpu.memory_space<hbm>>) dst(%arg5 : memref<96xi32, #tpu.memory_space<vmem>>)
      tpu.yield
    }) : () -> ()
    %dma_start3A = arith.constant 0 : i32
    %dma_start3A_3 = arith.constant 0 : i32
    %dma_start3A_4 = tpu.memref_slice %arg2[%dma_start3A, %dma_start3A_3] : memref<10000x768xf32, #tpu.memory_space<hbm>> -> memref<10000x768xf32, #tpu.memory_space<hbm>>
    tpu.enqueue_indirect_dma source(%dma_start3A_4 : memref<10000x768xf32, #tpu.memory_space<hbm>>) target(%arg6 : memref<96x768xf32, #tpu.memory_space<vmem>>) offsets(%arg5 : memref<96xi32, #tpu.memory_space<vmem>>) semaphore(%arg7 : memref<!tpu.dma_semaphore, #tpu.memory_space<semaphore_mem>>)
    %dma_wait3A = arith.constant 0 : i32
    %dma_wait3A_5 = arith.constant 0 : i32
    %dma_wait3A_6 = tpu.memref_slice %arg2[%dma_wait3A, %dma_wait3A_5] : memref<10000x768xf32, #tpu.memory_space<hbm>> -> memref<10000x768xf32, #tpu.memory_space<hbm>>
    tpu.wait_indirect_dma semaphore(%arg7 : memref<!tpu.dma_semaphore, #tpu.memory_space<semaphore_mem>>) src(%dma_wait3A_6 : memref<10000x768xf32, #tpu.memory_space<hbm>>) dst(%arg6 : memref<96x768xf32, #tpu.memory_space<vmem>>)
    "tpu.region"() ({
      %run_scoped3A = tpu.sem_alloc : memref<!tpu.dma_semaphore, #tpu.memory_space<semaphore_mem>>
      %dma_start3A_7 = arith.constant 0 : i32
      %dma_start3A_8 = tpu.memref_slice %arg4[%mul3A_2, %dma_start3A_7] : memref<3072x768xf32, #tpu.memory_space<hbm>> -> memref<96x768xf32, #tpu.memory_space<hbm>>
      %dma_start3A_9 = arith.constant 0 : i32
      %dma_start3A_10 = tpu.memref_slice %arg4[%mul3A_2, %dma_start3A_9] : memref<3072x768xf32, #tpu.memory_space<hbm>> -> memref<96x768xf32, #tpu.memory_space<hbm>>
      tpu.enqueue_dma source(%arg6 : memref<96x768xf32, #tpu.memory_space<vmem>>) target(%dma_start3A_10 : memref<96x768xf32, #tpu.memory_space<hbm>>) target_semaphore(%run_scoped3A : memref<!tpu.dma_semaphore, #tpu.memory_space<semaphore_mem>>)
      %dma_wait3A_11 = arith.constant 0 : i32
      %dma_wait3A_12 = tpu.memref_slice %arg4[%mul3A_2, %dma_wait3A_11] : memref<3072x768xf32, #tpu.memory_space<hbm>> -> memref<96x768xf32, #tpu.memory_space<hbm>>
      %dma_wait3A_13 = arith.constant 0 : i32
      %dma_wait3A_14 = tpu.memref_slice %arg4[%mul3A_2, %dma_wait3A_13] : memref<3072x768xf32, #tpu.memory_space<hbm>> -> memref<96x768xf32, #tpu.memory_space<hbm>>
      tpu.wait_dma2 semaphore(%run_scoped3A : memref<!tpu.dma_semaphore, #tpu.memory_space<semaphore_mem>>) src(%arg6 : memref<96x768xf32, #tpu.memory_space<vmem>>) dst(%dma_wait3A_14 : memref<96x768xf32, #tpu.memory_space<hbm>>)
      tpu.yield
    }) : () -> ()
    return
  }
}

module attributes {stable_mosaic.version = 14 : i64} {
  func.func @_rotate3_body(%arg0: i32, %arg1: memref<512x768xf32, #tpu.memory_space<vmem>>, %arg2: memref<512x768xf32, #tpu.memory_space<vmem>>, %arg3: memref<512x768xf32, #tpu.memory_space<vmem>>, %arg4: memref<768x768xf32, #tpu.memory_space<vmem>>, %arg5: memref<512x768xf32, #tpu.memory_space<vmem>>) attributes {dimension_semantics = [#tpu.dimension_semantics<arbitrary>], iteration_bounds = array<i64: 8>, scalar_prefetch = 0 : i64, scratch_operands = 0 : i64, tpu.core_type = #tpu.core_type<tc>, window_params = [{transform_indices = @transform_0, window_bounds = array<i64: 512, 768>}, {transform_indices = @transform_1, window_bounds = array<i64: 512, 768>}, {transform_indices = @transform_2, window_bounds = array<i64: 512, 768>}, {pipeline_mode = #tpu.pipeline_mode<synchronous>, transform_indices = @transform_3, window_bounds = array<i64: 768, 768>}, {transform_indices = @transform_4, window_bounds = array<i64: 512, 768>}]} {
    %get3A = arith.constant 0 : index
    %get3A_0 = arith.constant 0 : index
    %get3A_1 = vector.load %arg4[%get3A, %get3A_0] : memref<768x768xf32, #tpu.memory_space<vmem>>, vector<768x768xf32>
    %convert_element_type3A = arith.truncf %get3A_1 : vector<768x768xf32> to vector<768x768xbf16>
    %lt3A = arith.constant 2 : i32
    %lt3A_2 = arith.cmpi slt, %arg0, %lt3A : i32
    %convert_element_type3A_3 = arith.extui %lt3A_2 : i1 to i32
    %cond3A = arith.constant 0 : i32
    %cond3A_4 = arith.cmpi ne, %convert_element_type3A_3, %cond3A : i32
    scf.if %cond3A_4 {
      %get3A_16 = arith.constant 0 : index
      %get3A_17 = arith.constant 0 : index
      %get3A_18 = vector.load %arg1[%get3A_16, %get3A_17] : memref<512x768xf32, #tpu.memory_space<vmem>>, vector<512x768xf32>
      %convert_element_type3A_19 = arith.truncf %get3A_18 : vector<512x768xf32> to vector<512x768xbf16>
      %dot_general3A = arith.constant dense<0.000000e+00> : vector<512x768xf32>
      %dot_general3A_20 = tpu.matmul %convert_element_type3A_19, %convert_element_type3A, %dot_general3A {dimension_numbers = #tpu.dot_dimension_numbers<[1], [1], [0], [0], [0, 0, 1, 0], [], []>, transpose_lhs_hint = false} : vector<512x768xbf16>, vector<768x768xbf16>, vector<512x768xf32> -> vector<512x768xf32>
      %swap3A = arith.constant 0 : index
      %swap3A_21 = arith.constant 0 : index
      %swap3A_22 = vector.load %arg5[%swap3A, %swap3A_21] : memref<512x768xf32, #tpu.memory_space<vmem>>, vector<512x768xf32>
      tpu.vector_store %arg5[%swap3A, %swap3A_21], %dot_general3A_20 {strides = array<i32>} : memref<512x768xf32, #tpu.memory_space<vmem>>, vector<512x768xf32>,
    } else {
    }
    %ge3A = arith.constant 2 : i32
    %ge3A_5 = arith.cmpi sge, %arg0, %ge3A : i32
    %lt3A_6 = arith.constant 4 : i32
    %lt3A_7 = arith.cmpi slt, %arg0, %lt3A_6 : i32
    %and3A = arith.andi %ge3A_5, %lt3A_7 : i1
    %convert_element_type3A_8 = arith.extui %and3A : i1 to i32
    %cond3A_9 = arith.constant 0 : i32
    %cond3A_10 = arith.cmpi ne, %convert_element_type3A_8, %cond3A_9 : i32
    scf.if %cond3A_10 {
      %get3A_16 = arith.constant 0 : index
      %get3A_17 = arith.constant 0 : index
      %get3A_18 = vector.load %arg2[%get3A_16, %get3A_17] : memref<512x768xf32, #tpu.memory_space<vmem>>, vector<512x768xf32>
      %convert_element_type3A_19 = arith.truncf %get3A_18 : vector<512x768xf32> to vector<512x768xbf16>
      %dot_general3A = arith.constant dense<0.000000e+00> : vector<512x768xf32>
      %dot_general3A_20 = tpu.matmul %convert_element_type3A_19, %convert_element_type3A, %dot_general3A {dimension_numbers = #tpu.dot_dimension_numbers<[1], [1], [0], [0], [0, 0, 1, 0], [], []>, transpose_lhs_hint = false} : vector<512x768xbf16>, vector<768x768xbf16>, vector<512x768xf32> -> vector<512x768xf32>
      %swap3A = arith.constant 0 : index
      %swap3A_21 = arith.constant 0 : index
      %swap3A_22 = vector.load %arg5[%swap3A, %swap3A_21] : memref<512x768xf32, #tpu.memory_space<vmem>>, vector<512x768xf32>
      tpu.vector_store %arg5[%swap3A, %swap3A_21], %dot_general3A_20 {strides = array<i32>} : memref<512x768xf32, #tpu.memory_space<vmem>>, vector<512x768xf32>,
    } else {
    }
    %ge3A_11 = arith.constant 4 : i32
    %ge3A_12 = arith.cmpi sge, %arg0, %ge3A_11 : i32
    %convert_element_type3A_13 = arith.extui %ge3A_12 : i1 to i32
    %cond3A_14 = arith.constant 0 : i32
    %cond3A_15 = arith.cmpi ne, %convert_element_type3A_13, %cond3A_14 : i32
    scf.if %cond3A_15 {
      %get3A_16 = arith.constant 0 : index
      %get3A_17 = arith.constant 0 : index
      %get3A_18 = vector.load %arg3[%get3A_16, %get3A_17] : memref<512x768xf32, #tpu.memory_space<vmem>>, vector<512x768xf32>
      %convert_element_type3A_19 = arith.truncf %get3A_18 : vector<512x768xf32> to vector<512x768xbf16>
      %dot_general3A = arith.constant dense<0.000000e+00> : vector<512x768xf32>
      %dot_general3A_20 = tpu.matmul %convert_element_type3A_19, %convert_element_type3A, %dot_general3A {dimension_numbers = #tpu.dot_dimension_numbers<[1], [1], [0], [0], [0, 0, 1, 0], [], []>, transpose_lhs_hint = false} : vector<512x768xbf16>, vector<768x768xbf16>, vector<512x768xf32> -> vector<512x768xf32>
      %swap3A = arith.constant 0 : index
      %swap3A_21 = arith.constant 0 : index
      %swap3A_22 = vector.load %arg5[%swap3A, %swap3A_21] : memref<512x768xf32, #tpu.memory_space<vmem>>, vector<512x768xf32>
      tpu.vector_store %arg5[%swap3A, %swap3A_21], %dot_general3A_20 {strides = array<i32>} : memref<512x768xf32, #tpu.memory_space<vmem>>, vector<512x768xf32>,
    } else {
    }
    return
  }
  func.func @transform_0(%arg0: i32) -> (i32, i32) {
    %min3A = arith.constant 1 : i32
    %min3A_0 = arith.minsi %arg0, %min3A : i32
    %c0_i32 = arith.constant 0 : i32
    %c0_i32_1 = arith.constant 0 : i32
    return %min3A_0, %c0_i32 : i32, i32
  }
  func.func @transform_1(%arg0: i32) -> (i32, i32) {
    %sub3A = arith.constant 2 : i32
    %sub3A_0 = arith.subi %arg0, %sub3A : i32
    %jit3A = arith.constant 0 : i32
    %jit3A_1 = arith.constant 1 : i32
    %max3A = arith.maxsi %jit3A, %sub3A_0 : i32
    %min3A = arith.minsi %jit3A_1, %max3A : i32
    %c0_i32 = arith.constant 0 : i32
    %c0_i32_2 = arith.constant 0 : i32
    return %min3A, %c0_i32 : i32, i32
  }
  func.func @transform_2(%arg0: i32) -> (i32, i32) {
    %sub3A = arith.constant 2 : i32
    %sub3A_0 = arith.subi %arg0, %sub3A : i32
    %sub3A_1 = arith.constant 2 : i32
    %sub3A_2 = arith.subi %sub3A_0, %sub3A_1 : i32
    %jit3A = arith.constant 0 : i32
    %jit3A_3 = arith.constant 3 : i32
    %max3A = arith.maxsi %jit3A, %sub3A_2 : i32
    %min3A = arith.minsi %jit3A_3, %max3A : i32
    %c0_i32 = arith.constant 0 : i32
    %c0_i32_4 = arith.constant 0 : i32
    return %min3A, %c0_i32 : i32, i32
  }
  func.func @transform_3(%arg0: i32) -> (i32, i32) {
    %c0_i32 = arith.constant 0 : i32
    %c0_i32_0 = arith.constant 0 : i32
    %c0_i32_1 = arith.constant 0 : i32
    return %c0_i32, %c0_i32_0 : i32, i32
  }
  func.func @transform_4(%arg0: i32) -> (i32, i32) {
    %c0_i32 = arith.constant 0 : i32
    %c0_i32_0 = arith.constant 0 : i32
    return %arg0, %c0_i32 : i32, i32
  }
}

module attributes {stable_mosaic.version = 14 : i64} {
  func.func @_pq_body(%arg0: i32, %arg1: i32, %arg2: memref<512x128xf32, #tpu.memory_space<vmem>>, %arg3: memref<1x128x2048xf32, #tpu.memory_space<vmem>>, %arg4: memref<512x128xf32, #tpu.memory_space<vmem>>, %arg5: memref<8x2048xf32, #tpu.memory_space<vmem>>) attributes {dimension_semantics = [#tpu.dimension_semantics<arbitrary>, #tpu.dimension_semantics<arbitrary>], iteration_bounds = array<i64: 6, 6>, scalar_prefetch = 0 : i64, scratch_operands = 1 : i64, tpu.core_type = #tpu.core_type<tc>, window_params = [{transform_indices = @transform_0, window_bounds = array<i64: 512, 128>}, {transform_indices = @transform_1, window_bounds = array<i64: 1, 128, 2048>}, {transform_indices = @transform_2, window_bounds = array<i64: 512, 128>}]} {
    %get3A = arith.constant 0 : index
    %get3A_0 = arith.constant 0 : index
    %get3A_1 = arith.constant 0 : index
    %get3A_2 = vector.load %arg3[%get3A, %get3A_0, %get3A_1] : memref<1x128x2048xf32, #tpu.memory_space<vmem>>, vector<1x128x2048xf32>
    %get3A_3 = vector.shape_cast %get3A_2 : vector<1x128x2048xf32> to vector<128x2048xf32>
    %convert_element_type3A = arith.truncf %get3A_3 : vector<128x2048xf32> to vector<128x2048xbf16>
    %eq3A = arith.constant 0 : i32
    %eq3A_4 = arith.cmpi eq, %arg1, %eq3A : i32
    %convert_element_type3A_5 = arith.extui %eq3A_4 : i1 to i32
    %cond3A = arith.constant 0 : i32
    %cond3A_6 = arith.cmpi ne, %convert_element_type3A_5, %cond3A : i32
    scf.if %cond3A_6 {
      %mul3A_91 = arith.mulf %get3A_3, %get3A_3 : vector<128x2048xf32>
      %reduce_sum3A = arith.constant dense<0.000000e+00> : vector<2048xf32>
      %reduce_sum3A_92 = vector.multi_reduction <add>, %mul3A_91, %reduce_sum3A [0] : vector<128x2048xf32> to vector<2048xf32>
      %broadcast_in_dim3A_93 = vector.shape_cast %reduce_sum3A_92 : vector<2048xf32> to vector<1x2048xf32>
      %swap3A_94 = arith.constant 0 : index
      %swap3A_95 = arith.constant 0 : index
      %swap3A_96 = vector.load %arg5[%swap3A_94, %swap3A_95] : memref<8x2048xf32, #tpu.memory_space<vmem>>, vector<1x2048xf32>
      tpu.vector_store %arg5[%swap3A_94, %swap3A_95], %broadcast_in_dim3A_93 {strides = array<i32>} : memref<8x2048xf32, #tpu.memory_space<vmem>>, vector<1x2048xf32>,
    } else {
    }
    %get3A_7 = arith.constant 0 : index
    %get3A_8 = arith.constant 0 : index
    %get3A_9 = vector.load %arg2[%get3A_7, %get3A_8] : memref<512x128xf32, #tpu.memory_space<vmem>>, vector<512x128xf32>
    %convert_element_type3A_10 = arith.truncf %get3A_9 : vector<512x128xf32> to vector<512x128xbf16>
    %dot_general3A = arith.constant dense<0.000000e+00> : vector<512x2048xf32>
    %dot_general3A_11 = tpu.matmul %convert_element_type3A_10, %convert_element_type3A, %dot_general3A {dimension_numbers = #tpu.dot_dimension_numbers<[1], [0], [0], [1], [0, 0, 1, 1], [], []>, transpose_lhs_hint = false} : vector<512x128xbf16>, vector<128x2048xbf16>, vector<512x2048xf32> -> vector<512x2048xf32>
    %get3A_12 = arith.constant 0 : index
    %get3A_13 = arith.constant 0 : index
    %get3A_14 = vector.load %arg5[%get3A_12, %get3A_13] : memref<8x2048xf32, #tpu.memory_space<vmem>>, vector<1x2048xf32>
    %mul3A = arith.constant 2.000000e+00 : f32
    %mul3A_15 = vector.broadcast %mul3A : f32 to vector<512x2048xf32>
    %mul3A_16 = arith.mulf %mul3A_15, %dot_general3A_11 : vector<512x2048xf32>
    %sub3A = vector.broadcast %get3A_14 : vector<1x2048xf32> to vector<512x2048xf32>
    %sub3A_17 = arith.subf %sub3A, %mul3A_16 : vector<512x2048xf32>
    %slice3A = vector.extract_strided_slice %sub3A_17 {offsets = [0, 0], sizes = [512, 256], strides = [1, 1]} : vector<512x2048xf32> to vector<512x256xf32>
    %reduce_min3A = arith.constant dense<0x7F800000> : vector<512xf32>
    %reduce_min3A_18 = vector.multi_reduction <minimumf>, %slice3A, %reduce_min3A [1] : vector<512x256xf32> to vector<512xf32>
    %broadcast_in_dim3A = vector.shape_cast %reduce_min3A_18 : vector<512xf32> to vector<512x1xf32>
    %eq3A_19 = vector.broadcast %broadcast_in_dim3A : vector<512x1xf32> to vector<512x256xf32>
    %eq3A_20 = arith.cmpf oeq, %slice3A, %eq3A_19 : vector<512x256xf32>
    %convert_element_type3A_21 = arith.extui %eq3A_20 : vector<512x256xi1> to vector<512x256xi32>
    %convert_element_type3A_22 = arith.sitofp %convert_element_type3A_21 : vector<512x256xi32> to vector<512x256xf32>
    %convert_element_type3A_23 = arith.truncf %convert_element_type3A_22 : vector<512x256xf32> to vector<512x256xbf16>
    %slice3A_24 = vector.extract_strided_slice %sub3A_17 {offsets = [0, 256], sizes = [512, 256], strides = [1, 1]} : vector<512x2048xf32> to vector<512x256xf32>
    %reduce_min3A_25 = arith.constant dense<0x7F800000> : vector<512xf32>
    %reduce_min3A_26 = vector.multi_reduction <minimumf>, %slice3A_24, %reduce_min3A_25 [1] : vector<512x256xf32> to vector<512xf32>
    %broadcast_in_dim3A_27 = vector.shape_cast %reduce_min3A_26 : vector<512xf32> to vector<512x1xf32>
    %eq3A_28 = vector.broadcast %broadcast_in_dim3A_27 : vector<512x1xf32> to vector<512x256xf32>
    %eq3A_29 = arith.cmpf oeq, %slice3A_24, %eq3A_28 : vector<512x256xf32>
    %convert_element_type3A_30 = arith.extui %eq3A_29 : vector<512x256xi1> to vector<512x256xi32>
    %convert_element_type3A_31 = arith.sitofp %convert_element_type3A_30 : vector<512x256xi32> to vector<512x256xf32>
    %convert_element_type3A_32 = arith.truncf %convert_element_type3A_31 : vector<512x256xf32> to vector<512x256xbf16>
    %slice3A_33 = vector.extract_strided_slice %sub3A_17 {offsets = [0, 512], sizes = [512, 256], strides = [1, 1]} : vector<512x2048xf32> to vector<512x256xf32>
    %reduce_min3A_34 = arith.constant dense<0x7F800000> : vector<512xf32>
    %reduce_min3A_35 = vector.multi_reduction <minimumf>, %slice3A_33, %reduce_min3A_34 [1] : vector<512x256xf32> to vector<512xf32>
    %broadcast_in_dim3A_36 = vector.shape_cast %reduce_min3A_35 : vector<512xf32> to vector<512x1xf32>
    %eq3A_37 = vector.broadcast %broadcast_in_dim3A_36 : vector<512x1xf32> to vector<512x256xf32>
    %eq3A_38 = arith.cmpf oeq, %slice3A_33, %eq3A_37 : vector<512x256xf32>
    %convert_element_type3A_39 = arith.extui %eq3A_38 : vector<512x256xi1> to vector<512x256xi32>
    %convert_element_type3A_40 = arith.sitofp %convert_element_type3A_39 : vector<512x256xi32> to vector<512x256xf32>
    %convert_element_type3A_41 = arith.truncf %convert_element_type3A_40 : vector<512x256xf32> to vector<512x256xbf16>
    %slice3A_42 = vector.extract_strided_slice %sub3A_17 {offsets = [0, 768], sizes = [512, 256], strides = [1, 1]} : vector<512x2048xf32> to vector<512x256xf32>
    %reduce_min3A_43 = arith.constant dense<0x7F800000> : vector<512xf32>
    %reduce_min3A_44 = vector.multi_reduction <minimumf>, %slice3A_42, %reduce_min3A_43 [1] : vector<512x256xf32> to vector<512xf32>
    %broadcast_in_dim3A_45 = vector.shape_cast %reduce_min3A_44 : vector<512xf32> to vector<512x1xf32>
    %eq3A_46 = vector.broadcast %broadcast_in_dim3A_45 : vector<512x1xf32> to vector<512x256xf32>
    %eq3A_47 = arith.cmpf oeq, %slice3A_42, %eq3A_46 : vector<512x256xf32>
    %convert_element_type3A_48 = arith.extui %eq3A_47 : vector<512x256xi1> to vector<512x256xi32>
    %convert_element_type3A_49 = arith.sitofp %convert_element_type3A_48 : vector<512x256xi32> to vector<512x256xf32>
    %convert_element_type3A_50 = arith.truncf %convert_element_type3A_49 : vector<512x256xf32> to vector<512x256xbf16>
    %slice3A_51 = vector.extract_strided_slice %sub3A_17 {offsets = [0, 1024], sizes = [512, 256], strides = [1, 1]} : vector<512x2048xf32> to vector<512x256xf32>
    %reduce_min3A_52 = arith.constant dense<0x7F800000> : vector<512xf32>
    %reduce_min3A_53 = vector.multi_reduction <minimumf>, %slice3A_51, %reduce_min3A_52 [1] : vector<512x256xf32> to vector<512xf32>
    %broadcast_in_dim3A_54 = vector.shape_cast %reduce_min3A_53 : vector<512xf32> to vector<512x1xf32>
    %eq3A_55 = vector.broadcast %broadcast_in_dim3A_54 : vector<512x1xf32> to vector<512x256xf32>
    %eq3A_56 = arith.cmpf oeq, %slice3A_51, %eq3A_55 : vector<512x256xf32>
    %convert_element_type3A_57 = arith.extui %eq3A_56 : vector<512x256xi1> to vector<512x256xi32>
    %convert_element_type3A_58 = arith.sitofp %convert_element_type3A_57 : vector<512x256xi32> to vector<512x256xf32>
    %convert_element_type3A_59 = arith.truncf %convert_element_type3A_58 : vector<512x256xf32> to vector<512x256xbf16>
    %slice3A_60 = vector.extract_strided_slice %sub3A_17 {offsets = [0, 1280], sizes = [512, 256], strides = [1, 1]} : vector<512x2048xf32> to vector<512x256xf32>
    %reduce_min3A_61 = arith.constant dense<0x7F800000> : vector<512xf32>
    %reduce_min3A_62 = vector.multi_reduction <minimumf>, %slice3A_60, %reduce_min3A_61 [1] : vector<512x256xf32> to vector<512xf32>
    %broadcast_in_dim3A_63 = vector.shape_cast %reduce_min3A_62 : vector<512xf32> to vector<512x1xf32>
    %eq3A_64 = vector.broadcast %broadcast_in_dim3A_63 : vector<512x1xf32> to vector<512x256xf32>
    %eq3A_65 = arith.cmpf oeq, %slice3A_60, %eq3A_64 : vector<512x256xf32>
    %convert_element_type3A_66 = arith.extui %eq3A_65 : vector<512x256xi1> to vector<512x256xi32>
    %convert_element_type3A_67 = arith.sitofp %convert_element_type3A_66 : vector<512x256xi32> to vector<512x256xf32>
    %convert_element_type3A_68 = arith.truncf %convert_element_type3A_67 : vector<512x256xf32> to vector<512x256xbf16>
    %slice3A_69 = vector.extract_strided_slice %sub3A_17 {offsets = [0, 1536], sizes = [512, 256], strides = [1, 1]} : vector<512x2048xf32> to vector<512x256xf32>
    %reduce_min3A_70 = arith.constant dense<0x7F800000> : vector<512xf32>
    %reduce_min3A_71 = vector.multi_reduction <minimumf>, %slice3A_69, %reduce_min3A_70 [1] : vector<512x256xf32> to vector<512xf32>
    %broadcast_in_dim3A_72 = vector.shape_cast %reduce_min3A_71 : vector<512xf32> to vector<512x1xf32>
    %eq3A_73 = vector.broadcast %broadcast_in_dim3A_72 : vector<512x1xf32> to vector<512x256xf32>
    %eq3A_74 = arith.cmpf oeq, %slice3A_69, %eq3A_73 : vector<512x256xf32>
    %convert_element_type3A_75 = arith.extui %eq3A_74 : vector<512x256xi1> to vector<512x256xi32>
    %convert_element_type3A_76 = arith.sitofp %convert_element_type3A_75 : vector<512x256xi32> to vector<512x256xf32>
    %convert_element_type3A_77 = arith.truncf %convert_element_type3A_76 : vector<512x256xf32> to vector<512x256xbf16>
    %slice3A_78 = vector.extract_strided_slice %sub3A_17 {offsets = [0, 1792], sizes = [512, 256], strides = [1, 1]} : vector<512x2048xf32> to vector<512x256xf32>
    %reduce_min3A_79 = arith.constant dense<0x7F800000> : vector<512xf32>
    %reduce_min3A_80 = vector.multi_reduction <minimumf>, %slice3A_78, %reduce_min3A_79 [1] : vector<512x256xf32> to vector<512xf32>
    %broadcast_in_dim3A_81 = vector.shape_cast %reduce_min3A_80 : vector<512xf32> to vector<512x1xf32>
    %eq3A_82 = vector.broadcast %broadcast_in_dim3A_81 : vector<512x1xf32> to vector<512x256xf32>
    %eq3A_83 = arith.cmpf oeq, %slice3A_78, %eq3A_82 : vector<512x256xf32>
    %convert_element_type3A_84 = arith.extui %eq3A_83 : vector<512x256xi1> to vector<512x256xi32>
    %convert_element_type3A_85 = arith.sitofp %convert_element_type3A_84 : vector<512x256xi32> to vector<512x256xf32>
    %convert_element_type3A_86 = arith.truncf %convert_element_type3A_85 : vector<512x256xf32> to vector<512x256xbf16>
    %concatenate3A = tpu.concatenate %convert_element_type3A_23, %convert_element_type3A_32, %convert_element_type3A_41, %convert_element_type3A_50, %convert_element_type3A_59, %convert_element_type3A_68, %convert_element_type3A_77, %convert_element_type3A_86 in 1 : vector<512x256xbf16>, vector<512x256xbf16>, vector<512x256xbf16>, vector<512x256xbf16>, vector<512x256xbf16>, vector<512x256xbf16>, vector<512x256xbf16>, vector<512x256xbf16> -> vector<512x2048xbf16>
    %dot_general3A_87 = arith.constant dense<0.000000e+00> : vector<512x128xf32>
    %dot_general3A_88 = tpu.matmul %concatenate3A, %convert_element_type3A, %dot_general3A_87 {dimension_numbers = #tpu.dot_dimension_numbers<[1], [1], [0], [0], [0, 0, 1, 0], [], []>, transpose_lhs_hint = false} : vector<512x2048xbf16>, vector<128x2048xbf16>, vector<512x128xf32> -> vector<512x128xf32>
    %swap3A = arith.constant 0 : index
    %swap3A_89 = arith.constant 0 : index
    %swap3A_90 = vector.load %arg4[%swap3A, %swap3A_89] : memref<512x128xf32, #tpu.memory_space<vmem>>, vector<512x128xf32>
    tpu.vector_store %arg4[%swap3A, %swap3A_89], %dot_general3A_88 {strides = array<i32>} : memref<512x128xf32, #tpu.memory_space<vmem>>, vector<512x128xf32>,
    return
  }
  func.func @transform_0(%arg0: i32, %arg1: i32) -> (i32, i32) {
    %add3A = arith.constant 2 : i32
    %add3A_0 = arith.addi %arg1, %add3A : i32
    %c0_i32 = arith.constant 0 : i32
    return %add3A_0, %arg0 : i32, i32
  }
  func.func @transform_1(%arg0: i32, %arg1: i32) -> (i32, i32, i32) {
    %c0_i32 = arith.constant 0 : i32
    %c0_i32_0 = arith.constant 0 : i32
    %c0_i32_1 = arith.constant 0 : i32
    return %arg0, %c0_i32, %c0_i32_0 : i32, i32, i32
  }
  func.func @transform_2(%arg0: i32, %arg1: i32) -> (i32, i32) {
    %c0_i32 = arith.constant 0 : i32
    return %arg1, %arg0 : i32, i32
  }
}

module attributes {stable_mosaic.version = 14 : i64} {
  func.func @_losses_body(%arg0: i32, %arg1: i32, %arg2: memref<512x768xf32, #tpu.memory_space<vmem>>, %arg3: memref<512x768xf32, #tpu.memory_space<vmem>>, %arg4: memref<1024x768xf32, #tpu.memory_space<vmem>>, %arg5: memref<2048x768xf32, #tpu.memory_space<vmem>>, %arg6: memref<3072x768xf32, #tpu.memory_space<vmem>>, %arg7: memref<3072x768xf32, #tpu.memory_space<vmem>>, %arg8: memref<1x1xf32, #tpu.memory_space<smem>>, %arg9: memref<1x1x128xf32, #tpu.memory_space<vmem>>) attributes {dimension_semantics = [#tpu.dimension_semantics<arbitrary>, #tpu.dimension_semantics<arbitrary>], iteration_bounds = array<i64: 3, 2>, scalar_prefetch = 0 : i64, scratch_operands = 0 : i64, tpu.core_type = #tpu.core_type<tc>, window_params = [{transform_indices = @transform_0, window_bounds = array<i64: 512, 768>}, {transform_indices = @transform_1, window_bounds = array<i64: 512, 768>}, {pipeline_mode = #tpu.pipeline_mode<synchronous>, transform_indices = @transform_2, window_bounds = array<i64: 1024, 768>}, {pipeline_mode = #tpu.pipeline_mode<synchronous>, transform_indices = @transform_3, window_bounds = array<i64: 2048, 768>}, {pipeline_mode = #tpu.pipeline_mode<synchronous>, transform_indices = @transform_4, window_bounds = array<i64: 3072, 768>}, {pipeline_mode = #tpu.pipeline_mode<synchronous>, transform_indices = @transform_5, window_bounds = array<i64: 3072, 768>}, {transform_indices = @transform_6, window_bounds = array<i64: 1, 1>}, {transform_indices = @transform_7, window_bounds = array<i64: 1, 1, 128>}]} {
    %get3A = arith.constant 0 : index
    %get3A_0 = arith.constant 0 : index
    %get3A_1 = memref.load %arg8[%get3A, %get3A_0] : memref<1x1xf32, #tpu.memory_space<smem>>
    %eq3A = arith.constant 0 : i32
    %eq3A_2 = arith.cmpi eq, %arg0, %eq3A : i32
    %convert_element_type3A = arith.extui %eq3A_2 : i1 to i32
    %cond3A = arith.constant 0 : i32
    %cond3A_3 = arith.cmpi ne, %convert_element_type3A, %cond3A : i32
    scf.if %cond3A_3 {
      %get3A_14 = arith.constant 0 : index
      %get3A_15 = arith.constant 0 : index
      %get3A_16 = vector.load %arg2[%get3A_14, %get3A_15] : memref<512x768xf32, #tpu.memory_space<vmem>>, vector<512x768xf32>
      %convert_element_type3A_17 = arith.truncf %get3A_16 : vector<512x768xf32> to vector<512x768xbf16>
      %get3A_18 = arith.constant 0 : index
      %get3A_19 = arith.constant 0 : index
      %get3A_20 = vector.load %arg4[%get3A_18, %get3A_19] : memref<1024x768xf32, #tpu.memory_space<vmem>>, vector<1024x768xf32>
      %convert_element_type3A_21 = arith.truncf %get3A_20 : vector<1024x768xf32> to vector<1024x768xbf16>
      %dot_general3A = arith.constant dense<0.000000e+00> : vector<512x1024xf32>
      %dot_general3A_22 = tpu.matmul %convert_element_type3A_17, %convert_element_type3A_21, %dot_general3A {dimension_numbers = #tpu.dot_dimension_numbers<[1], [1], [0], [0], [0, 0, 1, 0], [], []>, transpose_lhs_hint = false} : vector<512x768xbf16>, vector<1024x768xbf16>, vector<512x1024xf32> -> vector<512x1024xf32>
      %get3A_23 = arith.constant 0 : index
      %get3A_24 = arith.constant 0 : index
      %get3A_25 = vector.load %arg5[%get3A_23, %get3A_24] : memref<2048x768xf32, #tpu.memory_space<vmem>>, vector<2048x768xf32>
      %convert_element_type3A_26 = arith.truncf %get3A_25 : vector<2048x768xf32> to vector<2048x768xbf16>
      %dot_general3A_27 = arith.constant dense<0.000000e+00> : vector<512x2048xf32>
      %dot_general3A_28 = tpu.matmul %convert_element_type3A_17, %convert_element_type3A_26, %dot_general3A_27 {dimension_numbers = #tpu.dot_dimension_numbers<[1], [1], [0], [0], [0, 0, 1, 0], [], []>, transpose_lhs_hint = false} : vector<512x768xbf16>, vector<2048x768xbf16>, vector<512x2048xf32> -> vector<512x2048xf32>
      %concatenate3A = tpu.concatenate %dot_general3A_22, %dot_general3A_28 in 1 : vector<512x1024xf32>, vector<512x2048xf32> -> vector<512x3072xf32>
      %mul3A = vector.broadcast %get3A_1 : f32 to vector<512x3072xf32>
      %mul3A_29 = arith.mulf %concatenate3A, %mul3A : vector<512x3072xf32>
      %reduce_max3A = arith.constant dense<0xFF800000> : vector<512xf32>
      %reduce_max3A_30 = vector.multi_reduction <maximumf>, %mul3A_29, %reduce_max3A [1] : vector<512x3072xf32> to vector<512xf32>
      %broadcast_in_dim3A = vector.shape_cast %reduce_max3A_30 : vector<512xf32> to vector<512x1xf32>
      %sub3A = vector.broadcast %broadcast_in_dim3A : vector<512x1xf32> to vector<512x3072xf32>
      %sub3A_31 = arith.subf %mul3A_29, %sub3A : vector<512x3072xf32>
      %exp3A = math.exp %sub3A_31 : vector<512x3072xf32>
      %reduce_sum3A = arith.constant dense<0.000000e+00> : vector<512xf32>
      %reduce_sum3A_32 = vector.multi_reduction <add>, %exp3A, %reduce_sum3A [1] : vector<512x3072xf32> to vector<512xf32>
      %broadcast_in_dim3A_33 = vector.shape_cast %reduce_sum3A_32 : vector<512xf32> to vector<512x1xf32>
      %log3A = math.log %broadcast_in_dim3A_33 : vector<512x1xf32>
      %add3A = arith.addf %log3A, %broadcast_in_dim3A : vector<512x1xf32>
      %slice3A = vector.extract_strided_slice %mul3A_29 {offsets = [0, 0], sizes = [512, 1024], strides = [1, 1]} : vector<512x3072xf32> to vector<512x1024xf32>
      %iota3A = tpu.iota {dimensions = array<i32: 1>} : vector<512x1024xi32>
      %iota3A_34 = tpu.iota {dimensions = array<i32: 0>} : vector<512x1024xi32>
      %mul3A_35 = arith.constant 512 : i32
      %mul3A_36 = arith.muli %arg1, %mul3A_35 : i32
      %add3A_37 = vector.broadcast %mul3A_36 : i32 to vector<512x1024xi32>
      %add3A_38 = arith.addi %iota3A_34, %add3A_37 : vector<512x1024xi32>
      %eq3A_39 = arith.cmpi eq, %iota3A, %add3A_38 : vector<512x1024xi32>
      %jit3A = arith.constant 0.000000e+00 : f32
      %broadcast_in_dim3A_40 = vector.broadcast %jit3A : f32 to vector<512x1024xf32>
      %select_n3A = arith.select %eq3A_39, %slice3A, %broadcast_in_dim3A_40 : vector<512x1024xi1>, vector<512x1024xf32>
      %reduce_sum3A_41 = arith.constant dense<0.000000e+00> : vector<512xf32>
      %reduce_sum3A_42 = vector.multi_reduction <add>, %select_n3A, %reduce_sum3A_41 [1] : vector<512x1024xf32> to vector<512xf32>
      %broadcast_in_dim3A_43 = vector.shape_cast %reduce_sum3A_42 : vector<512xf32> to vector<512x1xf32>
      %sub3A_44 = arith.subf %broadcast_in_dim3A_43, %add3A : vector<512x1xf32>
      %reduce_sum3A_45 = vector.shape_cast %sub3A_44 : vector<512x1xf32> to vector<1x512x1xf32>
      %reduce_sum3A_46 = arith.constant dense<0.000000e+00> : vector<1xf32>
      %reduce_sum3A_47 = vector.multi_reduction <add>, %reduce_sum3A_45, %reduce_sum3A_46 [1, 2] : vector<1x512x1xf32> to vector<1xf32>
      %reduce_sum3A_48 = vector.shape_cast %reduce_sum3A_47 : vector<1xf32> to vector<1x1x1xf32>
      %reduce_sum3A_49 = vector.extract %reduce_sum3A_48[0, 0, 0] : f32 from vector<1x1x1xf32>
      %neg3A = arith.constant 0.000000e+00 : f32
      %neg3A_50 = arith.subf %neg3A, %reduce_sum3A_49 : f32
      %div3A = arith.constant 1.024000e+03 : f32
      %div3A_51 = arith.divf %neg3A_50, %div3A : f32
      %eq3A_52 = arith.constant 0 : i32
      %eq3A_53 = arith.cmpi eq, %arg1, %eq3A_52 : i32
      %convert_element_type3A_54 = arith.extui %eq3A_53 : i1 to i32
      %cond3A_55 = arith.constant 0 : i32
      %cond3A_56 = arith.cmpi ne, %convert_element_type3A_54, %cond3A_55 : i32
      scf.if %cond3A_56 {
        %broadcast_in_dim3A_61 = vector.broadcast %div3A_51 : f32 to vector<1x1x128xf32>
        %swap3A = arith.constant 0 : index
        %swap3A_62 = arith.constant 0 : index
        %swap3A_63 = arith.constant 0 : index
        %swap3A_64 = vector.load %arg9[%swap3A, %swap3A_62, %swap3A_63] : memref<1x1x128xf32, #tpu.memory_space<vmem>>, vector<1x1x128xf32>
        tpu.vector_store %arg9[%swap3A, %swap3A_62, %swap3A_63], %broadcast_in_dim3A_61 {strides = array<i32>} : memref<1x1x128xf32, #tpu.memory_space<vmem>>, vector<1x1x128xf32>,
      } else {
      }
      %gt3A = arith.constant 0 : i32
      %gt3A_57 = arith.cmpi sgt, %arg1, %gt3A : i32
      %convert_element_type3A_58 = arith.extui %gt3A_57 : i1 to i32
      %cond3A_59 = arith.constant 0 : i32
      %cond3A_60 = arith.cmpi ne, %convert_element_type3A_58, %cond3A_59 : i32
      scf.if %cond3A_60 {
        %get3A_61 = arith.constant 0 : index
        %get3A_62 = arith.constant 0 : index
        %get3A_63 = arith.constant 0 : index
        %get3A_64 = vector.load %arg9[%get3A_61, %get3A_62, %get3A_63] : memref<1x1x128xf32, #tpu.memory_space<vmem>>, vector<1x1x128xf32>
        %add3A_65 = vector.broadcast %div3A_51 : f32 to vector<1x1x128xf32>
        %add3A_66 = arith.addf %get3A_64, %add3A_65 : vector<1x1x128xf32>
        %swap3A = arith.constant 0 : index
        %swap3A_67 = arith.constant 0 : index
        %swap3A_68 = arith.constant 0 : index
        %swap3A_69 = vector.load %arg9[%swap3A, %swap3A_67, %swap3A_68] : memref<1x1x128xf32, #tpu.memory_space<vmem>>, vector<1x1x128xf32>
        tpu.vector_store %arg9[%swap3A, %swap3A_67, %swap3A_68], %add3A_66 {strides = array<i32>} : memref<1x1x128xf32, #tpu.memory_space<vmem>>, vector<1x1x128xf32>,
      } else {
      }
    } else {
    }
    %eq3A_4 = arith.constant 1 : i32
    %eq3A_5 = arith.cmpi eq, %arg0, %eq3A_4 : i32
    %convert_element_type3A_6 = arith.extui %eq3A_5 : i1 to i32
    %cond3A_7 = arith.constant 0 : i32
    %cond3A_8 = arith.cmpi ne, %convert_element_type3A_6, %cond3A_7 : i32
    scf.if %cond3A_8 {
      %get3A_14 = arith.constant 0 : index
      %get3A_15 = arith.constant 0 : index
      %get3A_16 = vector.load %arg3[%get3A_14, %get3A_15] : memref<512x768xf32, #tpu.memory_space<vmem>>, vector<512x768xf32>
      %convert_element_type3A_17 = arith.truncf %get3A_16 : vector<512x768xf32> to vector<512x768xbf16>
      %get3A_18 = arith.constant 0 : index
      %get3A_19 = arith.constant 0 : index
      %get3A_20 = vector.load %arg6[%get3A_18, %get3A_19] : memref<3072x768xf32, #tpu.memory_space<vmem>>, vector<3072x768xf32>
      %convert_element_type3A_21 = arith.truncf %get3A_20 : vector<3072x768xf32> to vector<3072x768xbf16>
      %dot_general3A = arith.constant dense<0.000000e+00> : vector<512x3072xf32>
      %dot_general3A_22 = tpu.matmul %convert_element_type3A_17, %convert_element_type3A_21, %dot_general3A {dimension_numbers = #tpu.dot_dimension_numbers<[1], [1], [0], [0], [0, 0, 1, 0], [], []>, transpose_lhs_hint = false} : vector<512x768xbf16>, vector<3072x768xbf16>, vector<512x3072xf32> -> vector<512x3072xf32>
      %mul3A = vector.broadcast %get3A_1 : f32 to vector<512x3072xf32>
      %mul3A_23 = arith.mulf %dot_general3A_22, %mul3A : vector<512x3072xf32>
      %reduce_max3A = arith.constant dense<0xFF800000> : vector<512xf32>
      %reduce_max3A_24 = vector.multi_reduction <maximumf>, %mul3A_23, %reduce_max3A [1] : vector<512x3072xf32> to vector<512xf32>
      %broadcast_in_dim3A = vector.shape_cast %reduce_max3A_24 : vector<512xf32> to vector<512x1xf32>
      %sub3A = vector.broadcast %broadcast_in_dim3A : vector<512x1xf32> to vector<512x3072xf32>
      %sub3A_25 = arith.subf %mul3A_23, %sub3A : vector<512x3072xf32>
      %exp3A = math.exp %sub3A_25 : vector<512x3072xf32>
      %reduce_sum3A = arith.constant dense<0.000000e+00> : vector<512xf32>
      %reduce_sum3A_26 = vector.multi_reduction <add>, %exp3A, %reduce_sum3A [1] : vector<512x3072xf32> to vector<512xf32>
      %broadcast_in_dim3A_27 = vector.shape_cast %reduce_sum3A_26 : vector<512xf32> to vector<512x1xf32>
      %log3A = math.log %broadcast_in_dim3A_27 : vector<512x1xf32>
      %add3A = arith.addf %log3A, %broadcast_in_dim3A : vector<512x1xf32>
      %slice3A = vector.extract_strided_slice %mul3A_23 {offsets = [0, 0], sizes = [512, 1024], strides = [1, 1]} : vector<512x3072xf32> to vector<512x1024xf32>
      %iota3A = tpu.iota {dimensions = array<i32: 1>} : vector<512x1024xi32>
      %iota3A_28 = tpu.iota {dimensions = array<i32: 0>} : vector<512x1024xi32>
      %mul3A_29 = arith.constant 512 : i32
      %mul3A_30 = arith.muli %arg1, %mul3A_29 : i32
      %add3A_31 = vector.broadcast %mul3A_30 : i32 to vector<512x1024xi32>
      %add3A_32 = arith.addi %iota3A_28, %add3A_31 : vector<512x1024xi32>
      %eq3A_33 = arith.cmpi eq, %iota3A, %add3A_32 : vector<512x1024xi32>
      %jit3A = arith.constant 0.000000e+00 : f32
      %broadcast_in_dim3A_34 = vector.broadcast %jit3A : f32 to vector<512x1024xf32>
      %select_n3A = arith.select %eq3A_33, %slice3A, %broadcast_in_dim3A_34 : vector<512x1024xi1>, vector<512x1024xf32>
      %reduce_sum3A_35 = arith.constant dense<0.000000e+00> : vector<512xf32>
      %reduce_sum3A_36 = vector.multi_reduction <add>, %select_n3A, %reduce_sum3A_35 [1] : vector<512x1024xf32> to vector<512xf32>
      %broadcast_in_dim3A_37 = vector.shape_cast %reduce_sum3A_36 : vector<512xf32> to vector<512x1xf32>
      %sub3A_38 = arith.subf %broadcast_in_dim3A_37, %add3A : vector<512x1xf32>
      %reduce_sum3A_39 = vector.shape_cast %sub3A_38 : vector<512x1xf32> to vector<1x512x1xf32>
      %reduce_sum3A_40 = arith.constant dense<0.000000e+00> : vector<1xf32>
      %reduce_sum3A_41 = vector.multi_reduction <add>, %reduce_sum3A_39, %reduce_sum3A_40 [1, 2] : vector<1x512x1xf32> to vector<1xf32>
      %reduce_sum3A_42 = vector.shape_cast %reduce_sum3A_41 : vector<1xf32> to vector<1x1x1xf32>
      %reduce_sum3A_43 = vector.extract %reduce_sum3A_42[0, 0, 0] : f32 from vector<1x1x1xf32>
      %neg3A = arith.constant 0.000000e+00 : f32
      %neg3A_44 = arith.subf %neg3A, %reduce_sum3A_43 : f32
      %div3A = arith.constant 1.024000e+03 : f32
      %div3A_45 = arith.divf %neg3A_44, %div3A : f32
      %eq3A_46 = arith.constant 0 : i32
      %eq3A_47 = arith.cmpi eq, %arg1, %eq3A_46 : i32
      %convert_element_type3A_48 = arith.extui %eq3A_47 : i1 to i32
      %cond3A_49 = arith.constant 0 : i32
      %cond3A_50 = arith.cmpi ne, %convert_element_type3A_48, %cond3A_49 : i32
      scf.if %cond3A_50 {
        %broadcast_in_dim3A_55 = vector.broadcast %div3A_45 : f32 to vector<1x1x128xf32>
        %swap3A = arith.constant 0 : index
        %swap3A_56 = arith.constant 0 : index
        %swap3A_57 = arith.constant 0 : index
        %swap3A_58 = vector.load %arg9[%swap3A, %swap3A_56, %swap3A_57] : memref<1x1x128xf32, #tpu.memory_space<vmem>>, vector<1x1x128xf32>
        tpu.vector_store %arg9[%swap3A, %swap3A_56, %swap3A_57], %broadcast_in_dim3A_55 {strides = array<i32>} : memref<1x1x128xf32, #tpu.memory_space<vmem>>, vector<1x1x128xf32>,
      } else {
      }
      %gt3A = arith.constant 0 : i32
      %gt3A_51 = arith.cmpi sgt, %arg1, %gt3A : i32
      %convert_element_type3A_52 = arith.extui %gt3A_51 : i1 to i32
      %cond3A_53 = arith.constant 0 : i32
      %cond3A_54 = arith.cmpi ne, %convert_element_type3A_52, %cond3A_53 : i32
      scf.if %cond3A_54 {
        %get3A_55 = arith.constant 0 : index
        %get3A_56 = arith.constant 0 : index
        %get3A_57 = arith.constant 0 : index
        %get3A_58 = vector.load %arg9[%get3A_55, %get3A_56, %get3A_57] : memref<1x1x128xf32, #tpu.memory_space<vmem>>, vector<1x1x128xf32>
        %add3A_59 = vector.broadcast %div3A_45 : f32 to vector<1x1x128xf32>
        %add3A_60 = arith.addf %get3A_58, %add3A_59 : vector<1x1x128xf32>
        %swap3A = arith.constant 0 : index
        %swap3A_61 = arith.constant 0 : index
        %swap3A_62 = arith.constant 0 : index
        %swap3A_63 = vector.load %arg9[%swap3A, %swap3A_61, %swap3A_62] : memref<1x1x128xf32, #tpu.memory_space<vmem>>, vector<1x1x128xf32>
        tpu.vector_store %arg9[%swap3A, %swap3A_61, %swap3A_62], %add3A_60 {strides = array<i32>} : memref<1x1x128xf32, #tpu.memory_space<vmem>>, vector<1x1x128xf32>,
      } else {
      }
    } else {
    }
    %eq3A_9 = arith.constant 2 : i32
    %eq3A_10 = arith.cmpi eq, %arg0, %eq3A_9 : i32
    %convert_element_type3A_11 = arith.extui %eq3A_10 : i1 to i32
    %cond3A_12 = arith.constant 0 : i32
    %cond3A_13 = arith.cmpi ne, %convert_element_type3A_11, %cond3A_12 : i32
    scf.if %cond3A_13 {
      %get3A_14 = arith.constant 0 : index
      %get3A_15 = arith.constant 0 : index
      %get3A_16 = vector.load %arg3[%get3A_14, %get3A_15] : memref<512x768xf32, #tpu.memory_space<vmem>>, vector<512x768xf32>
      %convert_element_type3A_17 = arith.truncf %get3A_16 : vector<512x768xf32> to vector<512x768xbf16>
      %get3A_18 = arith.constant 0 : index
      %get3A_19 = arith.constant 0 : index
      %get3A_20 = vector.load %arg7[%get3A_18, %get3A_19] : memref<3072x768xf32, #tpu.memory_space<vmem>>, vector<3072x768xf32>
      %convert_element_type3A_21 = arith.truncf %get3A_20 : vector<3072x768xf32> to vector<3072x768xbf16>
      %dot_general3A = arith.constant dense<0.000000e+00> : vector<512x3072xf32>
      %dot_general3A_22 = tpu.matmul %convert_element_type3A_17, %convert_element_type3A_21, %dot_general3A {dimension_numbers = #tpu.dot_dimension_numbers<[1], [1], [0], [0], [0, 0, 1, 0], [], []>, transpose_lhs_hint = false} : vector<512x768xbf16>, vector<3072x768xbf16>, vector<512x3072xf32> -> vector<512x3072xf32>
      %mul3A = vector.broadcast %get3A_1 : f32 to vector<512x3072xf32>
      %mul3A_23 = arith.mulf %dot_general3A_22, %mul3A : vector<512x3072xf32>
      %reduce_max3A = arith.constant dense<0xFF800000> : vector<512xf32>
      %reduce_max3A_24 = vector.multi_reduction <maximumf>, %mul3A_23, %reduce_max3A [1] : vector<512x3072xf32> to vector<512xf32>
      %broadcast_in_dim3A = vector.shape_cast %reduce_max3A_24 : vector<512xf32> to vector<512x1xf32>
      %sub3A = vector.broadcast %broadcast_in_dim3A : vector<512x1xf32> to vector<512x3072xf32>
      %sub3A_25 = arith.subf %mul3A_23, %sub3A : vector<512x3072xf32>
      %exp3A = math.exp %sub3A_25 : vector<512x3072xf32>
      %reduce_sum3A = arith.constant dense<0.000000e+00> : vector<512xf32>
      %reduce_sum3A_26 = vector.multi_reduction <add>, %exp3A, %reduce_sum3A [1] : vector<512x3072xf32> to vector<512xf32>
      %broadcast_in_dim3A_27 = vector.shape_cast %reduce_sum3A_26 : vector<512xf32> to vector<512x1xf32>
      %log3A = math.log %broadcast_in_dim3A_27 : vector<512x1xf32>
      %add3A = arith.addf %log3A, %broadcast_in_dim3A : vector<512x1xf32>
      %slice3A = vector.extract_strided_slice %mul3A_23 {offsets = [0, 0], sizes = [512, 1024], strides = [1, 1]} : vector<512x3072xf32> to vector<512x1024xf32>
      %iota3A = tpu.iota {dimensions = array<i32: 1>} : vector<512x1024xi32>
      %iota3A_28 = tpu.iota {dimensions = array<i32: 0>} : vector<512x1024xi32>
      %mul3A_29 = arith.constant 512 : i32
      %mul3A_30 = arith.muli %arg1, %mul3A_29 : i32
      %add3A_31 = vector.broadcast %mul3A_30 : i32 to vector<512x1024xi32>
      %add3A_32 = arith.addi %iota3A_28, %add3A_31 : vector<512x1024xi32>
      %eq3A_33 = arith.cmpi eq, %iota3A, %add3A_32 : vector<512x1024xi32>
      %jit3A = arith.constant 0.000000e+00 : f32
      %broadcast_in_dim3A_34 = vector.broadcast %jit3A : f32 to vector<512x1024xf32>
      %select_n3A = arith.select %eq3A_33, %slice3A, %broadcast_in_dim3A_34 : vector<512x1024xi1>, vector<512x1024xf32>
      %reduce_sum3A_35 = arith.constant dense<0.000000e+00> : vector<512xf32>
      %reduce_sum3A_36 = vector.multi_reduction <add>, %select_n3A, %reduce_sum3A_35 [1] : vector<512x1024xf32> to vector<512xf32>
      %broadcast_in_dim3A_37 = vector.shape_cast %reduce_sum3A_36 : vector<512xf32> to vector<512x1xf32>
      %sub3A_38 = arith.subf %broadcast_in_dim3A_37, %add3A : vector<512x1xf32>
      %reduce_sum3A_39 = vector.shape_cast %sub3A_38 : vector<512x1xf32> to vector<1x512x1xf32>
      %reduce_sum3A_40 = arith.constant dense<0.000000e+00> : vector<1xf32>
      %reduce_sum3A_41 = vector.multi_reduction <add>, %reduce_sum3A_39, %reduce_sum3A_40 [1, 2] : vector<1x512x1xf32> to vector<1xf32>
      %reduce_sum3A_42 = vector.shape_cast %reduce_sum3A_41 : vector<1xf32> to vector<1x1x1xf32>
      %reduce_sum3A_43 = vector.extract %reduce_sum3A_42[0, 0, 0] : f32 from vector<1x1x1xf32>
      %neg3A = arith.constant 0.000000e+00 : f32
      %neg3A_44 = arith.subf %neg3A, %reduce_sum3A_43 : f32
      %div3A = arith.constant 1.024000e+03 : f32
      %div3A_45 = arith.divf %neg3A_44, %div3A : f32
      %eq3A_46 = arith.constant 0 : i32
      %eq3A_47 = arith.cmpi eq, %arg1, %eq3A_46 : i32
      %convert_element_type3A_48 = arith.extui %eq3A_47 : i1 to i32
      %cond3A_49 = arith.constant 0 : i32
      %cond3A_50 = arith.cmpi ne, %convert_element_type3A_48, %cond3A_49 : i32
      scf.if %cond3A_50 {
        %broadcast_in_dim3A_55 = vector.broadcast %div3A_45 : f32 to vector<1x1x128xf32>
        %swap3A = arith.constant 0 : index
        %swap3A_56 = arith.constant 0 : index
        %swap3A_57 = arith.constant 0 : index
        %swap3A_58 = vector.load %arg9[%swap3A, %swap3A_56, %swap3A_57] : memref<1x1x128xf32, #tpu.memory_space<vmem>>, vector<1x1x128xf32>
        tpu.vector_store %arg9[%swap3A, %swap3A_56, %swap3A_57], %broadcast_in_dim3A_55 {strides = array<i32>} : memref<1x1x128xf32, #tpu.memory_space<vmem>>, vector<1x1x128xf32>,
      } else {
      }
      %gt3A = arith.constant 0 : i32
      %gt3A_51 = arith.cmpi sgt, %arg1, %gt3A : i32
      %convert_element_type3A_52 = arith.extui %gt3A_51 : i1 to i32
      %cond3A_53 = arith.constant 0 : i32
      %cond3A_54 = arith.cmpi ne, %convert_element_type3A_52, %cond3A_53 : i32
      scf.if %cond3A_54 {
        %get3A_55 = arith.constant 0 : index
        %get3A_56 = arith.constant 0 : index
        %get3A_57 = arith.constant 0 : index
        %get3A_58 = vector.load %arg9[%get3A_55, %get3A_56, %get3A_57] : memref<1x1x128xf32, #tpu.memory_space<vmem>>, vector<1x1x128xf32>
        %add3A_59 = vector.broadcast %div3A_45 : f32 to vector<1x1x128xf32>
        %add3A_60 = arith.addf %get3A_58, %add3A_59 : vector<1x1x128xf32>
        %swap3A = arith.constant 0 : index
        %swap3A_61 = arith.constant 0 : index
        %swap3A_62 = arith.constant 0 : index
        %swap3A_63 = vector.load %arg9[%swap3A, %swap3A_61, %swap3A_62] : memref<1x1x128xf32, #tpu.memory_space<vmem>>, vector<1x1x128xf32>
        tpu.vector_store %arg9[%swap3A, %swap3A_61, %swap3A_62], %add3A_60 {strides = array<i32>} : memref<1x1x128xf32, #tpu.memory_space<vmem>>, vector<1x1x128xf32>,
      } else {
      }
    } else {
    }
    return
  }
  func.func @transform_0(%arg0: i32, %arg1: i32) -> (i32, i32) {
    %eq3A = arith.constant 0 : i32
    %eq3A_0 = arith.cmpi eq, %arg0, %eq3A : i32
    %jit3A = arith.constant 1 : i32
    %select_n3A = arith.select %eq3A_0, %arg1, %jit3A : i32
    %c0_i32 = arith.constant 0 : i32
    %c0_i32_1 = arith.constant 0 : i32
    return %select_n3A, %c0_i32 : i32, i32
  }
  func.func @transform_1(%arg0: i32, %arg1: i32) -> (i32, i32) {
    %eq3A = arith.constant 0 : i32
    %eq3A_0 = arith.cmpi eq, %arg0, %eq3A : i32
    %jit3A = arith.constant 0 : i32
    %select_n3A = arith.select %eq3A_0, %jit3A, %arg1 : i32
    %c0_i32 = arith.constant 0 : i32
    %c0_i32_1 = arith.constant 0 : i32
    return %select_n3A, %c0_i32 : i32, i32
  }
  func.func @transform_2(%arg0: i32, %arg1: i32) -> (i32, i32) {
    %c0_i32 = arith.constant 0 : i32
    %c0_i32_0 = arith.constant 0 : i32
    %c0_i32_1 = arith.constant 0 : i32
    return %c0_i32, %c0_i32_0 : i32, i32
  }
  func.func @transform_3(%arg0: i32, %arg1: i32) -> (i32, i32) {
    %c0_i32 = arith.constant 0 : i32
    %c0_i32_0 = arith.constant 0 : i32
    %c0_i32_1 = arith.constant 0 : i32
    return %c0_i32, %c0_i32_0 : i32, i32
  }
  func.func @transform_4(%arg0: i32, %arg1: i32) -> (i32, i32) {
    %c0_i32 = arith.constant 0 : i32
    %c0_i32_0 = arith.constant 0 : i32
    %c0_i32_1 = arith.constant 0 : i32
    return %c0_i32, %c0_i32_0 : i32, i32
  }
  func.func @transform_5(%arg0: i32, %arg1: i32) -> (i32, i32) {
    %c0_i32 = arith.constant 0 : i32
    %c0_i32_0 = arith.constant 0 : i32
    %c0_i32_1 = arith.constant 0 : i32
    return %c0_i32, %c0_i32_0 : i32, i32
  }
  func.func @transform_6(%arg0: i32, %arg1: i32) -> (i32, i32) {
    %c0_i32 = arith.constant 0 : i32
    %c0_i32_0 = arith.constant 0 : i32
    %c0_i32_1 = arith.constant 0 : i32
    return %c0_i32, %c0_i32_0 : i32, i32
  }
  func.func @transform_7(%arg0: i32, %arg1: i32) -> (i32, i32, i32) {
    %c0_i32 = arith.constant 0 : i32
    %c0_i32_0 = arith.constant 0 : i32
    %c0_i32_1 = arith.constant 0 : i32
    return %arg0, %c0_i32, %c0_i32_0 : i32, i32, i32
  }
}

</mosaic_0001>

<sc_bundles>
// kernel: kernel.6.cloned.1.call-start
scs
__scs_entry_jumppad:
0x0: {  	(pc) =	sbr.rel $0x88, $3  }
0x1: {  	(tag) =	ssettag $0x0;
	lr =	simm.s32 $0x1  }
0x2: {  	[smem:$0x3F98] =	sst lr;
	_ =	strace $0xD0000000  }
0x3: {  	_ = 	snop  }
0x4: {  	_ = 	snop  }
0x5: {  	_ = 	snop  }
0x6: {  	_ = 	snop  }
0x7: {  	_ = 	snop  }
__scs_overlays_trampoline_lowered:
0x8: {  	[smem:$0x3FA7] =	sst s0  }
0x9: {  	[smem:$0x3FA8] =	sst s1  }
0xa: {  	[smem:$0x3FA9] =	sst s2  }
0xb: {  	[smem:$0x3FAA] =	sst s3  }
0xc: {  	[smem:$0x3FAB] =	sst s4  }
0xd: {  	[smem:$0x3FAC] =	sst s5  }
0xe: {  	[smem:$0x3FAD] =	sst s6  }
0xf: {  	[smem:$0x3FAE] =	sst s7  }
0x10: {  	[smem:$0x3FAF] =	sst s8  }
0x11: {  	[smem:$0x3FB0] =	sst s9;
	s0 =	simm.s32 @!p0 $0x0  }
0x12: {  	s1 =	sld [smem:$0x3F96];
	s0 =	simm.s32 @p0 $0x1  }
0x13: {  	[smem:$0x3FB1] =	sst s0;
	s0 =	simm.s32 @!p1 $0x0  }
0x14: {  	s2 =	sld [smem:$0x3F95];
	s0 =	simm.s32 @p1 $0x1  }
0x15: {  	[smem:$0x3FB2] =	sst s0;
	s0 =	simm.s32 @!p2 $0x0  }
0x16: {  	s3 =	sld [smem:$0x3FDB];
	s0 =	simm.s32 @p2 $0x1  }
0x17: {  	s4 =	simm.s32 $0x1BF5;
	[smem:$0x3FB4] =	sst s0  }
0x18: {  	s0 =	sld [smem:$0x3F97];
	_ =	swait.ge [sflag:s4], $0x0  }
0x19: {  	s7 =	sld [smem:$0x3F98]  }
0x1a: {  	s8 =	sadd.s32 $0xFFFFE003, lr  }
0x1b: {  	s9 =	sadd.s32 $0xFFFFFEF7, lr;
	s5 =	simm.s32 $0xFFFFFFFF;
	p2 =	slt.u32 s8, $0xFFFFF086  }
0x1c: {  	p1 =	slt.u32 s9, $0xF7A;
	s5 =	simm.s32 @!p2 $0x0  }
0x1d: {  	s5 =	simm.s32 @p1 $0x1;
	p0 =	seq.s32 s7, s2  }
0x1e: {  	s7 =	smul.u32 @!p0 $0xF7A, s2;
	p2 =	seq.s32 @!p0 s5, $0x0  }
0x1f: {  	s9 =	smul.u32 $0xF7A, s1;
	s8 =	simm.s32 @!p0 $0x1BF5;
	p2 =	por !p2, p0  }
0x20: {  	[sflag:s8] =	ssyncset.s32 @!p0 $0xFFFFF086;
	s6 =	sadd.s32 @!p0 s3, s7;
	s7 =	simm.s32 @!p0 $0x108  }
0x21: {  	s3 =	sadd.s32 s3, s9;
	s6 =	sadd.s32 @!p0 $0x88, s6;
	s7 =	simm.s32 @p2 $0x1082  }
0x22: {  	[simem:s7], [sflag:s8] =	dma.local @!p0 [hbm:s6], $0xF7A  }
0x23: {  	s9 =	sor.u32 $0xD0000000, s2;
	s6 =	simm.s32 $0x108;
	_ =	swait.ge @!p0 [sflag:s8], $0x0  }
0x24: {  	s3 =	sadd.s32 $0x88, s3;
	s6 =	simm.s32 @!p1 $0x1082;
	[sflag:s4] =	ssyncset.s32 $0xFFFFF086  }
0x25: {  	[simem:s6], [sflag:s4] =	dma.local [hbm:s3], $0xF7A  }
0x26: {  	[smem:$0x3F98] =	sst s1;
	(tag) =	ssettag s2;
	_ =	strace s9  }
0x27: {  	s1 =	sld [smem:$0x3FA8]  }
0x28: {  	s2 =	sld [smem:$0x3FA9]  }
0x29: {  	s4 =	sld [smem:$0x3FAB]  }
0x2a: {  	p0 =	seq.s32 s5, $0x0;
	s5 =	sld [smem:$0x3FAC]  }
0x2b: {  	s6 =	sld [smem:$0x3FAD]  }
0x2c: {  	s7 =	sld [smem:$0x3FAE]  }
0x2d: {  	s3 =	simm.s32 $0x108;
	s8 =	sld [smem:$0x3FAF]  }
0x2e: {  	s3 =	simm.s32 @!p0 $0x1082;
	s9 =	sld [smem:$0x3FB0]  }
0x2f: {  	lr =	sadd.s32 s0, s3;
	s0 =	sld [smem:$0x3FA7]  }
0x30: {  	s3 =	sld [smem:$0x3FAA]  }
0x31: {  	[smem:$0x3FB3] =	sst s10  }
0x32: {  	s10 =	sld [smem:$0x3FB1];
	_ =	sdelay $0x3  }
0x33: {  	p0 =	seq.s32 s10, $0x1;
	s10 =	sld [smem:$0x3FB3];
	_ =	sdelay $0x3  }
0x34: {  	[smem:$0x3FB3] =	sst s10  }
0x35: {  	s10 =	sld [smem:$0x3FB2];
	_ =	sdelay $0x3  }
0x36: {  	p1 =	seq.s32 s10, $0x1;
	s10 =	sld [smem:$0x3FB3];
	_ =	sdelay $0x3  }
0x37: {  	[smem:$0x3FB3] =	sst s10  }
0x38: {  	s10 =	sld [smem:$0x3FB4]  }
0x39: {  	_ = 	snop;
	(pc) =	sbr.ind lr, $3  }
0x3a: {  	_ = 	snop  }
0x3b: {  	_ = 	snop  }
0x3c: {  	p2 =	seq.s32 s10, $0x1;
	s10 =	sld [smem:$0x3FB3]  }
0x3d: {  	_ =	shalt  }
0x3e: {  	_ =	shalt  }
0x3f: {  	_ =	shalt  }
0x40: {  	_ =	shalt  }
0x41: {  	_ =	shalt  }
0x42: {  	_ =	shalt  }
0x43: {  	_ =	shalt  }
0x44: {  	_ =	shalt  }
0x45: {  	_ =	shalt  }
0x46: {  	_ =	shalt  }
0x47: {  	_ =	shalt  }
0x48: {  	_ =	shalt  }
0x49: {  	_ =	shalt  }
0x4a: {  	_ =	shalt  }
0x4b: {  	_ =	shalt  }
0x4c: {  	_ =	shalt  }
0x4d: {  	_ =	shalt  }
0x4e: {  	_ =	shalt  }
0x4f: {  	_ =	shalt  }
0x50: {  	_ =	shalt  }
0x51: {  	_ =	shalt  }
0x52: {  	_ =	shalt  }
0x53: {  	_ =	shalt  }
0x54: {  	_ =	shalt  }
0x55: {  	_ =	shalt  }
0x56: {  	_ =	shalt  }
0x57: {  	_ =	shalt  }
0x58: {  	_ =	shalt  }
0x59: {  	_ =	shalt  }
0x5a: {  	_ =	shalt  }
0x5b: {  	_ =	shalt  }
0x5c: {  	_ =	shalt  }
0x5d: {  	_ =	shalt  }
0x5e: {  	_ =	shalt  }
0x5f: {  	_ =	shalt  }
0x60: {  	_ =	shalt  }
0x61: {  	_ =	shalt  }
0x62: {  	_ =	shalt  }
0x63: {  	_ =	shalt  }
0x64: {  	_ =	shalt  }
0x65: {  	_ =	shalt  }
0x66: {  	_ =	shalt  }
0x67: {  	_ =	shalt  }
0x68: {  	_ =	shalt  }
0x69: {  	_ =	shalt  }
0x6a: {  	_ =	shalt  }
0x6b: {  	_ =	shalt  }
0x6c: {  	_ =	shalt  }
0x6d: {  	_ =	shalt  }
0x6e: {  	_ =	shalt  }
0x6f: {  	_ =	shalt  }
0x70: {  	_ =	shalt  }
0x71: {  	_ =	shalt  }
0x72: {  	_ =	shalt  }
0x73: {  	_ =	shalt  }
0x74: {  	_ =	shalt  }
0x75: {  	_ =	shalt  }
0x76: {  	_ =	shalt  }
0x77: {  	_ =	shalt  }
0x78: {  	_ =	shalt  }
0x79: {  	_ =	shalt  }
0x7a: {  	_ =	shalt  }
0x7b: {  	_ =	shalt  }
0x7c: {  	_ =	shalt  }
0x7d: {  	_ =	shalt  }
0x7e: {  	_ =	shalt  }
0x7f: {  	_ =	shalt  }
0x80: {  	_ =	shalt  }
0x81: {  	_ =	shalt  }
0x82: {  	_ =	shalt  }
0x83: {  	_ =	shalt  }
0x84: {  	_ =	shalt  }
0x85: {  	_ =	shalt  }
0x86: {  	_ =	shalt  }
0x87: {  	_ =	shalt  }
.Lfunc_end0:
.L_simem_size_0:
called_computation_lowered:
.L_overlay_start_0:
0x88: {  	s2 =	sld [smem:$0x3FD9]  }
0x89: {  	s3 =	sld [smem:$0x3FFE];
	_ =	sdelay $0x1  }
0x8a: {  	s1 =	srdreg.scid  }
0x8b: {  	s0 =	sand.u32 $0x1, s1  }
0x8c: {  	s17 =	sshll.u32 s0, $0xA;
	s2 =	sadd.s32 s3, s2  }
0x8d: {  	s2 =	sadd.s32 s2, s17  }
0x8e: {  	[smem:$0x3FBF] =	sst s2  }
0x8f: {  	_ = 	snop  }
0x90: {  	s2 =	sld [smem:$0x3FC4];
	(tm) =	ssettm $0x1  }
0x91: {  	s18 =	sld [smem:$0x3FFB];
	_ =	sdelay $0x3  }
0x92: {  	_ =	strace s18  }
0x93: {  	s3 =	sld [smem:$0x3FFC];
	_ =	sdelay $0x3  }
0x94: {  	_ =	strace s3  }
0x95: {  	s3 =	sld [smem:$0x3FFD];
	_ =	sdelay $0x3  }
0x96: {  	_ =	strace s3  }
0x97: {  	_ =	strace $0x8FFFFFFF  }
0x98: {  	s19 =	sld [smem:$0x3FDB];
	_ =	sdelay $0x1  }
0x99: {  	s4 =	simm.s32 $_scs_section_size  }
0x9a: {  	s5 =	simm.s32 $_size__tile_overlayer_lowered;
	s6 =	simm.s32 $_tile_overlayer_lowered  }
0x9b: {  	s22 =	simm.s32 $0x1BFF;
	s21 =	sshll.u32 s6, $0x1;
	s3 =	sadd.s32 s4, s19  }
0x9c: {  	s7 =	simm.s32 $0x0;
	s20 =	sshll.u32 s5, $0x1;
	s5 =	sadd.s32 s21, s3  }
0x9d: {  	[timem:s7], [sflag:s22] =	dma.local [hbm:s5], s20  }
0x9e: {  	_ =	swait.ge [sflag:s22], s20  }
0x9f: {  	s4 =	ssub.s32 $0x0, s20;
	[sflag:s22] =	ssyncset.done $0x0  }
0xa0: {  	[sflag:s22] =	ssyncadd.s32 s4;
	_ =	sdelay $0x1  }
0xa1: {  	s23 =	simm.s32 $0x1B8B  }
0xa2: {  	_ =	swait.ge [sflag:s23], $0x1  }
0xa3: {  	[sflag:s23] =	ssyncset.done $0x0  }
0xa4: {  	s25 =	simm.s32 $0x1B8E;
	s24 =	sld [smem:$0x3FFE];
	[sflag:s23] =	ssyncadd.s32 $0xFFFFFFFF  }
0xa5: {  	s26 =	simm.s32 $execute0_lowered;
	[smem:$0x3FD2] =	sst s25  }
0xa6: {  	s5 =	sshll.u32 s26, $0x1;
	_ =	strace $0x80000046;
	[dreg:$0x1] =	wrdreg $0xFFFFFFFF  }
0xa7: {  	s28 =	simm.s32 $_size_execute0_lowered;
	s3 =	sadd.s32 s3, s5;
	[dreg:$0x0] =	wrdreg $0x0  }
0xa8: {  	s5 =	sshll.u32 s28, $0x1;
	[dreg:$0x2] =	wrdreg s3  }
0xa9: {  	[dreg:$0x3] =	wrdreg s5  }
0xaa: {  	[dreg:$0x4] =	wrdreg $0xC0  }
0xab: {  	_ =	task [dreg:s7], $0x5FFFF  }
0xac: {  	[dreg:$0x1] =	wrdreg $0xFFFFFFFF  }
0xad: {  	[dreg:$0x0] =	wrdreg $0x60  }
0xae: {  	[dreg:$0x2] =	wrdreg s2  }
0xaf: {  	[dreg:$0x3] =	wrdreg s24  }
0xb0: {  	[dreg:$0x4] =	wrdreg $0x9  }
0xb1: {  	_ =	task.clear_ibuf [dreg:s7], $0x5FFFF;
	_ =	strace $0x90000046  }
0xb2: {  	s29 =	simm.s32 $0x9;
	_ =	strace $0x80000048  }
0xb3: {  	_ =	swait.ge [sflag:s29], $0x1  }
0xb4: {  	[sflag:s29] =	ssyncadd.s32 $0xFFFFFFFF  }
0xb5: {  	_ =	strace $0x90000048  }
0xb6: {  	_ =	sfence  }
0xb7: {  	s30 =	sld [smem:$0x0];
	_ =	sdelay $0x2  }
0xb8: {  	s31 =	sshll.u32 s1, $0xD;
	s1 =	sshrl.u32 s1, $0x2  }
0xb9: {  	s3 =	sand.u32 $0x4000, s31;
	s1 =	sadd.s32 s1, s30  }
0xba: {  	s0 =	sor.u32 s3, s0;
	s1 =	sshll.u32 s1, $0x11  }
0xbb: {  	s0 =	sor.u32 s1, s0  }
0xbc: {  	s0 =	sadd.s32 $0x8F2B, s0  }
0xbd: {  	[sflag:s0] =	ssyncadd.remote.s32 $0x1  }
0xbe: {  	_ =	sfence.sel $0xFFFF  }
0xbf: {  	[dreg:$0x0] =	wrdreg $0xFFFFFFFF;
	(pc) =	sbr.abs _section_cstart, $3  }
0xc0: {  	[dreg:$0x1] =	wrdreg $0xFFFFFFFF  }
0xc1: {  	_ =	task.clear_ibuf [dreg:s7], $0x2FFFF;
	_ =	strace $0x9FFFFFFF  }
0xc2: {  	(tm) =	ssettm $0x7FFFFFFF  }
0xc3: {  	_ =	shalt  }
tec
execute0_lowered:
.L_overlay_start_1:
0x0: {  	(tag) =	ssettag $0x1  }
0x1: {  	s1 =	srdreg.scid;
	s0 =	stileid.u32  }
0x2: {  	s2 =	rddreg [dreg:$0x0];
	s1 =	sand.u32 $0x1, s1;
	s3 =	sshll.u32 s0, $0x1  }
0x3: {  	s5 =	rddreg [dreg:$0x1];
	s4 =	sor.u32 s1, s3;
	s3 =	simm.s32 $0x0  }
0x4: {  	s14 =	simm.s32 $0x880;
	s15 =	simm.s32 $0x1080;
	[smem:$0x7FF] =	sst s3  }
0x5: {  	s16 =	simm.s32 $0x1880;
	_ =	strace $0x80000047;
	[dreg:$0x5] =	wrdreg s14  }
0x6: {  	s17 =	simm.s32 $0x2080;
	s18 =	simm.s32 $0x2880;
	[dreg:$0x6] =	wrdreg s15  }
0x7: {  	s19 =	simm.s32 $0x3080;
	s21 =	simm.s32 $0x3880;
	[dreg:$0x7] =	wrdreg s16  }
0x8: {  	s22 =	simm.s32 $0x4080;
	s23 =	simm.s32 $0x4880;
	[dreg:$0x8] =	wrdreg s17  }
0x9: {  	s7 =	simm.s32 $0x5080;
	s24 =	simm.s32 $0x5880;
	[dreg:$0x9] =	wrdreg s18  }
0xa: {  	s25 =	simm.s32 $0x6080;
	s8 =	simm.s32 $0x80;
	[dreg:$0xa] =	wrdreg s19  }
0xb: {  	s26 =	simm.s32 $0x6880;
	s10 =	simm.s32 $0x7880;
	[dreg:$0xb] =	wrdreg s21  }
0xc: {  	s11 =	simm.s32 $0x8080;
	s12 =	simm.s32 $0x8880;
	[dreg:$0xc] =	wrdreg s22  }
0xd: {  	s28 =	simm.s32 $0x10080;
	s29 =	simm.s32 $0x10880;
	[dreg:$0xd] =	wrdreg s23  }
0xe: {  	s30 =	simm.s32 $0x11080;
	s31 =	simm.s32 $0x11880;
	[dreg:$0xe] =	wrdreg s7  }
0xf: {  	s1 =	ssub.s32 $0x2, s1;
	s6 =	smul.u32 $0xC, s4;
	[dreg:$0xf] =	wrdreg s24  }
0x10: {  	s4 =	smul.u32 $0x2400, s4;
	s20 =	sshrl.u32 s1, $0x1;
	[dreg:$0x10] =	wrdreg s25  }
0x11: {  	s1 =	ssub.s32 s1, s20;
	s7 =	simm.s32 $0x2;
	[dreg:$0x11] =	wrdreg s26  }
0x12: {  	s14 =	simm.s32 $0x9880;
	s15 =	simm.s32 $0xA080;
	s16 =	simm.s32 $0xA880  }
0x13: {  	s17 =	simm.s32 $0xB080;
	s18 =	simm.s32 $0xB880;
	s19 =	simm.s32 $0xC080  }
0x14: {  	s20 =	simm.s32 $0xC880;
	s21 =	simm.s32 $0xD080;
	s22 =	simm.s32 $0xD880  }
0x15: {  	s23 =	simm.s32 $0xE080;
	s24 =	simm.s32 $0xE880;
	s25 =	simm.s32 $0xF080  }
0x16: {  	s26 =	simm.s32 $0xF880;
	s6 =	sadd.s32 s6, s5;
	s4 =	sadd.s32 s4, s5  }
0x17: {  	v2 =	vlaneseq.u32;
	s5 =	sadd.s32 $0x200, s2;
	s13 =	sadd.s32 $0x1600, s6;
	s4 =	sadd.s32 $0x1800, s4  }
0x18: {  	vm0 =	vmmov $0xffff;
	v1 =	vshrl.u32 v2, $0x3;
	s6 =	smax.u32 s1, $0x1;
	s1 =	simm.s32 $0x1;
	[dreg:$0x3] =	wrdreg s13  }
0x19: {  	v0 =	vand.u32 $0x7, v2;
	v2 =	vor.u32 $0x8, v2;
	v1 =	vmul.u32 $0x8, v1;
	[dreg:$0x4] =	wrdreg s4;
	s4 =	sadd.s32 $0x100, s2;
	s13 =	simm.s32 $0x9080  }
.LBB2_1:
0x1a: {  	s0 =	rddreg [dreg:$0x3]  }
0x1b: {  	[tilespmem:s3], [sflag:$0x2] =	stream.linear.gather [hbm4b:s0+s3], $0x60, $0x38;
	[tilespmem:$0x12080] =	vst v63  }
0x1c: {  	_ =	swait.ge [sflag:s7], $0x60  }
0x1d: {  	[sflag:s7] =	ssyncset.done $0x0  }
0x1e: {  	[sflag:s7] =	ssyncadd.s32 $0xFFFFFFA0  }
0x1f: {  	v3 =	vld [tilespmem:$0x0];
	_ =	sdelay $0x4  }
0x20: {  	v4 =	vshrl.u32 v3, $0x3  }
0x21: {  	v4 =	vmul.u32 $0x30, v4  }
0x22: {  	v3 =	vand.u32 $0x7, v3  }
0x23: {  	v3 =	vor.u32 v3, v4  }
0x24: {  	v4 =	vperm.xlane v3, v0;
	_ =	sdelay $0x1  }
0x25: {  	v4 =	vadd.s32 v1, v4;
	_ =	sdelay $0x3  }
0x26: {  	v3 =	vperm.xlane v3, v2  }
0x27: {  	[tilespmem:s8], [sflag:$0x1] =	stream.indirect_vreg.gather [hbm4b:s2+s3], $0x80, v4, vm0, $0xb8;
	[tilespmem:$0x12080] =	vst v63  }
0x28: {  	s0 =	rddreg [dreg:$0x5];
	v3 =	vadd.s32 v1, v3  }
0x29: {  	[tilespmem:s0], [sflag:$0x1] =	stream.indirect_vreg.gather [hbm4b:s4+s3], $0x80, v4, vm0, $0xb8;
	[tilespmem:$0x12080] =	vst v63  }
0x2a: {  	s9 =	rddreg [dreg:$0x6]  }
0x2b: {  	[tilespmem:s9], [sflag:$0x1] =	stream.indirect_vreg.gather [hbm4b:s5+s3], $0x80, v4, vm0, $0xb8;
	[tilespmem:$0x12080] =	vst v63  }
0x2c: {  	s0 =	rddreg [dreg:$0x7]  }
0x2d: {  	[tilespmem:s0], [sflag:$0x1] =	stream.indirect_vreg.gather [hbm4b:s2+s3], $0x80, v3, vm0, $0xb8;
	[tilespmem:$0x12080] =	vst v63  }
0x2e: {  	s9 =	rddreg [dreg:$0x8]  }
0x2f: {  	[tilespmem:s9], [sflag:$0x1] =	stream.indirect_vreg.gather [hbm4b:s4+s3], $0x80, v3, vm0, $0xb8;
	[tilespmem:$0x12080] =	vst v63  }
0x30: {  	s0 =	rddreg [dreg:$0x9]  }
0x31: {  	[tilespmem:s0], [sflag:$0x1] =	stream.indirect_vreg.gather [hbm4b:s5+s3], $0x80, v3, vm0, $0xb8;
	[tilespmem:$0x12080] =	vst v63  }
0x32: {  	v3 =	vld [tilespmem:$0x10];
	_ =	sdelay $0x4  }
0x33: {  	v59 =	vshrl.u32 v3, $0x3  }
0x34: {  	v4 =	vmul.u32 $0x30, v59  }
0x35: {  	v3 =	vand.u32 $0x7, v3  }
0x36: {  	v3 =	vor.u32 v3, v4  }
0x37: {  	v4 =	vperm.xlane v3, v0;
	_ =	sdelay $0x1  }
0x38: {  	v4 =	vadd.s32 v1, v4;
	_ =	sdelay $0x3  }
0x39: {  	s0 =	rddreg [dreg:$0xa];
	v3 =	vperm.xlane v3, v2  }
0x3a: {  	[tilespmem:s0], [sflag:$0x1] =	stream.indirect_vreg.gather [hbm4b:s2+s3], $0x80, v4, vm0, $0xb8;
	[tilespmem:$0x12080] =	vst v63  }
0x3b: {  	s9 =	rddreg [dreg:$0xb];
	v3 =	vadd.s32 v1, v3  }
0x3c: {  	[tilespmem:s9], [sflag:$0x1] =	stream.indirect_vreg.gather [hbm4b:s4+s3], $0x80, v4, vm0, $0xb8;
	[tilespmem:$0x12080] =	vst v63  }
0x3d: {  	s0 =	rddreg [dreg:$0xc]  }
0x3e: {  	[tilespmem:s0], [sflag:$0x1] =	stream.indirect_vreg.gather [hbm4b:s5+s3], $0x80, v4, vm0, $0xb8;
	[tilespmem:$0x12080] =	vst v63  }
0x3f: {  	s9 =	rddreg [dreg:$0xd]  }
0x40: {  	[tilespmem:s9], [sflag:$0x1] =	stream.indirect_vreg.gather [hbm4b:s2+s3], $0x80, v3, vm0, $0xb8;
	[tilespmem:$0x12080] =	vst v63  }
0x41: {  	s0 =	rddreg [dreg:$0xe]  }
0x42: {  	[tilespmem:s0], [sflag:$0x1] =	stream.indirect_vreg.gather [hbm4b:s4+s3], $0x80, v3, vm0, $0xb8;
	[tilespmem:$0x12080] =	vst v63  }
0x43: {  	s9 =	rddreg [dreg:$0xf]  }
0x44: {  	[tilespmem:s9], [sflag:$0x1] =	stream.indirect_vreg.gather [hbm4b:s5+s3], $0x80, v3, vm0, $0xb8;
	[tilespmem:$0x12080] =	vst v63  }
0x45: {  	v3 =	vld [tilespmem:$0x20];
	_ =	sdelay $0x4  }
0x46: {  	v60 =	vshrl.u32 v3, $0x3  }
0x47: {  	v4 =	vmul.u32 $0x30, v60  }
0x48: {  	v3 =	vand.u32 $0x7, v3  }
0x49: {  	v3 =	vor.u32 v3, v4  }
0x4a: {  	v4 =	vperm.xlane v3, v0;
	_ =	sdelay $0x1  }
0x4b: {  	v4 =	vadd.s32 v1, v4;
	_ =	sdelay $0x3  }
0x4c: {  	s0 =	rddreg [dreg:$0x10];
	v3 =	vperm.xlane v3, v2  }
0x4d: {  	[tilespmem:s0], [sflag:$0x1] =	stream.indirect_vreg.gather [hbm4b:s2+s3], $0x80, v4, vm0, $0xb8;
	[tilespmem:$0x12080] =	vst v63  }
0x4e: {  	s9 =	rddreg [dreg:$0x11];
	v3 =	vadd.s32 v1, v3  }
0x4f: {  	[tilespmem:s9], [sflag:$0x1] =	stream.indirect_vreg.gather [hbm4b:s4+s3], $0x80, v4, vm0, $0xb8;
	[tilespmem:$0x12080] =	vst v63  }
0x50: {  	s9 =	simm.s32 $0x7080  }
0x51: {  	[tilespmem:s9], [sflag:$0x1] =	stream.indirect_vreg.gather [hbm4b:s5+s3], $0x80, v4, vm0, $0xb8;
	[tilespmem:$0x12080] =	vst v63  }
0x52: {  	_ = 	snop  }
0x53: {  	[tilespmem:s10], [sflag:$0x1] =	stream.indirect_vreg.gather [hbm4b:s2+s3], $0x80, v3, vm0, $0xb8;
	[tilespmem:$0x12080] =	vst v63  }
0x54: {  	_ = 	snop  }
0x55: {  	[tilespmem:s11], [sflag:$0x1] =	stream.indirect_vreg.gather [hbm4b:s4+s3], $0x80, v3, vm0, $0xb8;
	[tilespmem:$0x12080] =	vst v63  }
0x56: {  	_ = 	snop  }
0x57: {  	[tilespmem:s12], [sflag:$0x1] =	stream.indirect_vreg.gather [hbm4b:s5+s3], $0x80, v3, vm0, $0xb8;
	[tilespmem:$0x12080] =	vst v63  }
0x58: {  	v3 =	vld [tilespmem:$0x30];
	_ =	sdelay $0x4  }
0x59: {  	v61 =	vshrl.u32 v3, $0x3  }
0x5a: {  	v4 =	vmul.u32 $0x30, v61  }
0x5b: {  	v3 =	vand.u32 $0x7, v3  }
0x5c: {  	v3 =	vor.u32 v3, v4  }
0x5d: {  	v4 =	vperm.xlane v3, v0;
	_ =	sdelay $0x1  }
0x5e: {  	v4 =	vadd.s32 v1, v4;
	_ =	sdelay $0x3  }
0x5f: {  	v3 =	vperm.xlane v3, v2  }
0x60: {  	[tilespmem:s13], [sflag:$0x1] =	stream.indirect_vreg.gather [hbm4b:s2+s3], $0x80, v4, vm0, $0xb8;
	[tilespmem:$0x12080] =	vst v63  }
0x61: {  	v3 =	vadd.s32 v1, v3  }
0x62: {  	[tilespmem:s14], [sflag:$0x1] =	stream.indirect_vreg.gather [hbm4b:s4+s3], $0x80, v4, vm0, $0xb8;
	[tilespmem:$0x12080] =	vst v63  }
0x63: {  	_ = 	snop  }
0x64: {  	[tilespmem:s15], [sflag:$0x1] =	stream.indirect_vreg.gather [hbm4b:s5+s3], $0x80, v4, vm0, $0xb8;
	[tilespmem:$0x12080] =	vst v63  }
0x65: {  	_ = 	snop  }
0x66: {  	[tilespmem:s16], [sflag:$0x1] =	stream.indirect_vreg.gather [hbm4b:s2+s3], $0x80, v3, vm0, $0xb8;
	[tilespmem:$0x12080] =	vst v63  }
0x67: {  	_ = 	snop  }
0x68: {  	[tilespmem:s17], [sflag:$0x1] =	stream.indirect_vreg.gather [hbm4b:s4+s3], $0x80, v3, vm0, $0xb8;
	[tilespmem:$0x12080] =	vst v63  }
0x69: {  	_ = 	snop  }
0x6a: {  	[tilespmem:s18], [sflag:$0x1] =	stream.indirect_vreg.gather [hbm4b:s5+s3], $0x80, v3, vm0, $0xb8;
	[tilespmem:$0x12080] =	vst v63  }
0x6b: {  	v3 =	vld [tilespmem:$0x40];
	_ =	sdelay $0x4  }
0x6c: {  	v62 =	vshrl.u32 v3, $0x3  }
0x6d: {  	v4 =	vmul.u32 $0x30, v62  }
0x6e: {  	v3 =	vand.u32 $0x7, v3  }
0x6f: {  	v3 =	vor.u32 v3, v4  }
0x70: {  	v4 =	vperm.xlane v3, v0;
	_ =	sdelay $0x1  }
0x71: {  	v4 =	vadd.s32 v1, v4;
	_ =	sdelay $0x3  }
0x72: {  	v3 =	vperm.xlane v3, v2  }
0x73: {  	[tilespmem:s19], [sflag:$0x1] =	stream.indirect_vreg.gather [hbm4b:s2+s3], $0x80, v4, vm0, $0xb8;
	[tilespmem:$0x12080] =	vst v63  }
0x74: {  	v3 =	vadd.s32 v1, v3  }
0x75: {  	[tilespmem:s20], [sflag:$0x1] =	stream.indirect_vreg.gather [hbm4b:s4+s3], $0x80, v4, vm0, $0xb8;
	[tilespmem:$0x12080] =	vst v63  }
0x76: {  	_ = 	snop  }
0x77: {  	[tilespmem:s21], [sflag:$0x1] =	stream.indirect_vreg.gather [hbm4b:s5+s3], $0x80, v4, vm0, $0xb8;
	[tilespmem:$0x12080] =	vst v63  }
0x78: {  	_ = 	snop  }
0x79: {  	[tilespmem:s22], [sflag:$0x1] =	stream.indirect_vreg.gather [hbm4b:s2+s3], $0x80, v3, vm0, $0xb8;
	[tilespmem:$0x12080] =	vst v63  }
0x7a: {  	_ = 	snop  }
0x7b: {  	[tilespmem:s23], [sflag:$0x1] =	stream.indirect_vreg.gather [hbm4b:s4+s3], $0x80, v3, vm0, $0xb8;
	[tilespmem:$0x12080] =	vst v63  }
0x7c: {  	_ = 	snop  }
0x7d: {  	[tilespmem:s24], [sflag:$0x1] =	stream.indirect_vreg.gather [hbm4b:s5+s3], $0x80, v3, vm0, $0xb8;
	[tilespmem:$0x12080] =	vst v63  }
0x7e: {  	v3 =	vld [tilespmem:$0x50];
	_ =	sdelay $0x4  }
0x7f: {  	v63 =	vshrl.u32 v3, $0x3  }
0x80: {  	v4 =	vmul.u32 $0x30, v63  }
0x81: {  	v3 =	vand.u32 $0x7, v3  }
0x82: {  	v3 =	vor.u32 v3, v4  }
0x83: {  	v4 =	vperm.xlane v3, v0;
	_ =	sdelay $0x1  }
0x84: {  	v4 =	vadd.s32 v1, v4;
	_ =	sdelay $0x3  }
0x85: {  	v3 =	vperm.xlane v3, v2  }
0x86: {  	[tilespmem:s25], [sflag:$0x1] =	stream.indirect_vreg.gather [hbm4b:s2+s3], $0x80, v4, vm0, $0xb8;
	[tilespmem:$0x12080] =	vst v63  }
0x87: {  	v3 =	vadd.s32 v1, v3  }
0x88: {  	[tilespmem:s26], [sflag:$0x1] =	stream.indirect_vreg.gather [hbm4b:s4+s3], $0x80, v4, vm0, $0xb8;
	[tilespmem:$0x12080] =	vst v63  }
0x89: {  	_ = 	snop  }
0x8a: {  	[tilespmem:s28], [sflag:$0x1] =	stream.indirect_vreg.gather [hbm4b:s5+s3], $0x80, v4, vm0, $0xb8;
	[tilespmem:$0x12080] =	vst v63  }
0x8b: {  	_ = 	snop  }
0x8c: {  	[tilespmem:s29], [sflag:$0x1] =	stream.indirect_vreg.gather [hbm4b:s2+s3], $0x80, v3, vm0, $0xb8;
	[tilespmem:$0x12080] =	vst v63  }
0x8d: {  	_ = 	snop  }
0x8e: {  	[tilespmem:s30], [sflag:$0x1] =	stream.indirect_vreg.gather [hbm4b:s4+s3], $0x80, v3, vm0, $0xb8;
	[tilespmem:$0x12080] =	vst v63  }
0x8f: {  	_ = 	snop  }
0x90: {  	[tilespmem:s31], [sflag:$0x1] =	stream.indirect_vreg.gather [hbm4b:s5+s3], $0x80, v3, vm0, $0xb8;
	[tilespmem:$0x12080] =	vst v63  }
0x91: {  	_ =	swait.ge [sflag:s1], $0x12000  }
0x92: {  	p0 =	sne.s32 s6, $0x1;
	[sflag:s1] =	ssyncset.done $0x0  }
.Ltmp0:
0x93: {  	s9 =	rddreg [dreg:$0x4];
	[sflag:s1] =	ssyncadd.s32 $0xFFFEE000;
	(pc) =	sbr.rel @p0 .LBB2_1-.Ltmp0, $4  }
0x94: {  	[hbm4b:s9+s3] =	stream.linear.scatter [tilespmem:s8], [sflag:$0x2], $0x12000, $0x38;
	[tilespmem:$0x12080] =	vst v63  }
0x95: {  	_ =	swait.ge [sflag:s7], $0x12000  }
0x96: {  	[sflag:s7] =	ssyncset.done $0x0  }
0x97: {  	s6 =	sadd.s32 $0xFFFFFFFF, s6;
	[sflag:s7] =	ssyncadd.s32 $0xFFFEE000  }
0x98: {  	_ =	sfence.sel $0x180000  }
0x99: {  	[bflag:$0x0] =	sbarrier.arrive $0xFFFF  }
0x9a: {  	_ =	strace $0x90000047  }
0x9b: {  	s0 =	stileid.u32;
	[bflag:$0x2] =	sbarrier.arrive $0xFFFF  }
0x9c: {  	p0 =	sne.s32 s0, $0x0;
	s0 =	rddreg [dreg:$0x2]  }
0x9d: {  	s0 =	sadd.s32 @!p0 $0x100000, s0  }
0x9e: {  	[sflag:s0] =	ssyncadd.tile.s32 @!p0 $0x1;
	_ =	shalt  }
.Lfunc_end2:
_tile_overlayer_lowered:
.L_overlay_start_2:
0x9f: {  	(tag) =	ssettag $0x2  }
0xa0: {  	s0 =	rddreg [dreg:$0x0];
	s2 =	stileid.u32  }
0xa1: {  	s1 =	rddreg [dreg:$0x1];
	p0 =	sne.s32 s2, $0x0  }
0xa2: {  	s3 =	rddreg [dreg:$0x2];
	[bflag:$0x3] =	sbarrier.arrive $0xFFFF;
	s2 =	simm.s32 @!p0 $0x1C02  }
0xa3: {  	[timem:s3], [sflag:s2] =	dma.local @!p0 [hbm:s0], s1  }
0xa4: {  	s0 =	simm.s32 @!p0 $0x2  }
0xa5: {  	_ =	swait.ge @!p0 [sflag:s0], s1  }
0xa6: {  	s1 =	ssub.s32 @!p0 $0x0, s1;
	[sflag:s0] =	ssyncset.done @!p0 $0x0  }
0xa7: {  	[sflag:s0] =	ssyncadd.s32 @!p0 s1  }
0xa8: {  	[bflag:$0x3] =	sbarrier.arrive $0xFFFF  }
0xa9: {  	_ =	shalt  }

</sc_bundles>
